<compile_context>
chip_gen: v7x
topology: tpu7x:2x2x1
jax: 0.10.2.dev20260603
libtpu: 0.0.44.dev20260713+nightly
codegen_flags: <defaults>
</compile_context>

<pallas_src>
import functools

import jax
import jax.numpy as jnp
from jax import lax
from jax.experimental import pallas as pl
from jax.experimental.pallas import tpu as pltpu
from jax.experimental.pallas import tpu_sc as plsc

_LANES = 16


def _make_sc_kernel(B, L, D, n_workers, nbuf):
    rows_per_worker = B // n_workers
    n_groups = rows_per_worker // nbuf
    vregs_per_pos = D // _LANES

    mesh = plsc.VectorSubcoreMesh(core_axis_name="c", subcore_axis_name="s")

    @functools.partial(
        pl.kernel,
        out_type=jax.ShapeDtypeStruct((B, L, D), jnp.float32),
        mesh=mesh,
        scratch_types=[
            pltpu.VMEM((L, D), jnp.float32),
            pltpu.VMEM((rows_per_worker + _LANES,), jnp.int32),
            pltpu.VMEM((nbuf, L, D), jnp.float32),
        ]
        + [pltpu.SemaphoreType.DMA] * (2 * nbuf),
    )
    def sc_kernel(embs_hbm, slen_hbm, ptab_hbm, out_hbm, ptab_v, slen_v, buf_v, *sems):
        in_sems = sems[:nbuf]
        out_sems = sems[nbuf:]
        wid = lax.axis_index("s") * 2 + lax.axis_index("c")
        base = wid * rows_per_worker

        pltpu.sync_copy(ptab_hbm, ptab_v)
        pltpu.sync_copy(
            slen_hbm.at[pl.ds(base, rows_per_worker)],
            slen_v.at[pl.ds(0, rows_per_worker)],
        )

        def in_copy(c, b):
            return pltpu.make_async_copy(
                embs_hbm.at[base + c], buf_v.at[b], in_sems[b]
            )

        def out_copy(c, b):
            return pltpu.make_async_copy(
                buf_v.at[b], out_hbm.at[base + c], out_sems[b]
            )

        def group_body(g, carry):
            c0 = g * nbuf
            for b in range(nbuf):

                @pl.when(g > 0)
                def _wait_prev_out(b=b):
                    out_copy((g - 1) * nbuf + b, b).wait()

                in_copy(c0 + b, b).start()

            for b in range(nbuf):
                c = c0 + b
                in_copy(c, b).wait()
                n = slen_v[pl.ds(c, _LANES)][0]

                def pos_body(j, inner, _b=b):
                    for q in range(vregs_per_pos):
                        sl = pl.ds(q * _LANES, _LANES)
                        plsc.addupdate(buf_v.at[_b, j, sl], ptab_v[j, sl])
                    return inner

                lax.fori_loop(0, n, pos_body, 0)
                out_copy(c, b).start()
            return carry

        lax.fori_loop(0, n_groups, group_body, 0)
        for b in range(nbuf):
            out_copy(rows_per_worker - nbuf + b, b).wait()

    return sc_kernel


def kernel(embs, seq_lengths, pos_table):
    B, L, D = embs.shape
    sc = _make_sc_kernel(B, L, D, n_workers=32, nbuf=4)
    return sc(embs, seq_lengths.astype(jnp.int32), pos_table[1 : L + 1])

# --- scband reference (transcript-rebuilt; emitter-appended) ---
"""Pipeline reference for scband-positional-embedding-12171937317494 (READ-ONLY COPY).

The authoritative reference and input builder live on the scoring server;
editing this copy changes nothing except your own understanding.
"""

import jax, jax.numpy as jnp
import numpy as np

D_MODEL = 64
MAX_LEN = 2047
B = 4096
L = 200


def setup_inputs(seed: int = 0) -> dict:
    key = jax.random.key(seed)
    k1, k2, k3 = jax.random.split(key, 3)
    embs = jax.random.normal(k1, (B, L, D_MODEL), dtype=jnp.float32)
    seq_lengths = jax.random.randint(k2, (B,), 0, 200)
    pos_table = jax.random.uniform(k3, (MAX_LEN + 1, D_MODEL), minval=-0.01, maxval=0.01, dtype=jnp.float32)
    pos_table = pos_table.at[0].set(0.0)  # padding_idx=0 row zeroed (torch Embedding padding_idx)
    return {"embs": embs, "seq_lengths": seq_lengths, "pos_table": pos_table}


def reference(embs, seq_lengths, pos_table):
    # Faithful translation of PositionalEmbedding.forward:
    #   position_ids[i, :] = [1, 2, ..., L]; position_ids[i, seq_lengths[i]:] = 0 (pad)
    Lc = embs.shape[1]
    positions = jnp.arange(1, Lc + 1, dtype=seq_lengths.dtype)[None, :]
    valid = jnp.arange(Lc, dtype=seq_lengths.dtype)[None, :] < seq_lengths[:, None]
    position_ids = jnp.where(valid, positions, 0)
    position_embeddings = jnp.take(pos_table, position_ids, axis=0)
    return embs + position_embeddings

if __name__ == "__main__":
    import jax
    _d = setup_inputs()
    print(jax.jit(kernel)(*tuple(_d.values())))

</pallas_src>

<mosaic_0001>
#map = affine_map<(d0, d1) -> (0, 0, 0)>
#map1 = affine_map<(d0, d1) -> (0)>
#map2 = affine_map<(d0, d1) -> (0, 0)>
module attributes {stable_mosaic.version = 14 : i64} {
  func.func @sc_kernel(%arg0: i32, %arg1: i32, %arg2: memref<4096x200x64xf32, #tpu.memory_space<hbm>>, %arg3: memref<4096xi32, #tpu.memory_space<hbm>>, %arg4: memref<200x64xf32, #tpu.memory_space<hbm>>, %arg5: memref<4096x200x64xf32, #tpu.memory_space<hbm>>, %arg6: memref<200x64xf32, #tpu.memory_space<vmem>>, %arg7: memref<144xi32, #tpu.memory_space<vmem>>, %arg8: memref<4x200x64xf32, #tpu.memory_space<vmem>>, %arg9: memref<!tpu.dma_semaphore, #tpu.memory_space<semaphore_mem>>, %arg10: memref<!tpu.dma_semaphore, #tpu.memory_space<semaphore_mem>>, %arg11: memref<!tpu.dma_semaphore, #tpu.memory_space<semaphore_mem>>, %arg12: memref<!tpu.dma_semaphore, #tpu.memory_space<semaphore_mem>>, %arg13: memref<!tpu.dma_semaphore, #tpu.memory_space<semaphore_mem>>, %arg14: memref<!tpu.dma_semaphore, #tpu.memory_space<semaphore_mem>>, %arg15: memref<!tpu.dma_semaphore, #tpu.memory_space<semaphore_mem>>, %arg16: memref<!tpu.dma_semaphore, #tpu.memory_space<semaphore_mem>>) attributes {dimension_semantics = [#tpu.dimension_semantics<core_parallel>, #tpu.dimension_semantics<subcore_parallel>], iteration_bounds = array<i64: 2, 16>, scalar_prefetch = 0 : i64, scratch_operands = 11 : i64, tpu.core_type = #tpu.core_type<sc_vector_subcore>, window_params = [{transform_indices = #map}, {transform_indices = #map1}, {transform_indices = #map2}, {transform_indices = #map}]} {
    %mul3A = arith.constant 2 : i32
    %mul3A_0 = arith.muli %arg1, %mul3A : i32
    %add3A = arith.addi %mul3A_0, %arg0 : i32
    %mul3A_1 = arith.constant 128 : i32
    %mul3A_2 = arith.muli %add3A, %mul3A_1 : i32
    "tpu.region"() ({
      %run_scoped3A = tpu.sem_alloc : memref<!tpu.dma_semaphore, #tpu.memory_space<semaphore_mem>>
      tpu.enqueue_dma source(%arg4 : memref<200x64xf32, #tpu.memory_space<hbm>>) target(%arg6 : memref<200x64xf32, #tpu.memory_space<vmem>>) target_semaphore(%run_scoped3A : memref<!tpu.dma_semaphore, #tpu.memory_space<semaphore_mem>>)
      tpu.wait_dma2 semaphore(%run_scoped3A : memref<!tpu.dma_semaphore, #tpu.memory_space<semaphore_mem>>) src(%arg4 : memref<200x64xf32, #tpu.memory_space<hbm>>) dst(%arg6 : memref<200x64xf32, #tpu.memory_space<vmem>>)
      tpu.yield
    }) : () -> ()
    "tpu.region"() ({
      %run_scoped3A = tpu.sem_alloc : memref<!tpu.dma_semaphore, #tpu.memory_space<semaphore_mem>>
      %dma_start3A = arith.constant 0 : i32
      %dma_start3A_83 = tpu.memref_slice %arg7[%dma_start3A] : memref<144xi32, #tpu.memory_space<vmem>> -> memref<128xi32, #tpu.memory_space<vmem>>
      %dma_start3A_84 = tpu.memref_slice %arg3[%mul3A_2] : memref<4096xi32, #tpu.memory_space<hbm>> -> memref<128xi32, #tpu.memory_space<hbm>>
      %dma_start3A_85 = arith.constant 0 : i32
      %dma_start3A_86 = tpu.memref_slice %arg7[%dma_start3A_85] : memref<144xi32, #tpu.memory_space<vmem>> -> memref<128xi32, #tpu.memory_space<vmem>>
      %dma_start3A_87 = tpu.memref_slice %arg3[%mul3A_2] : memref<4096xi32, #tpu.memory_space<hbm>> -> memref<128xi32, #tpu.memory_space<hbm>>
      tpu.enqueue_dma source(%dma_start3A_87 : memref<128xi32, #tpu.memory_space<hbm>>) target(%dma_start3A_86 : memref<128xi32, #tpu.memory_space<vmem>>) target_semaphore(%run_scoped3A : memref<!tpu.dma_semaphore, #tpu.memory_space<semaphore_mem>>)
      %dma_wait3A_88 = arith.constant 0 : i32
      %dma_wait3A_89 = tpu.memref_slice %arg7[%dma_wait3A_88] : memref<144xi32, #tpu.memory_space<vmem>> -> memref<128xi32, #tpu.memory_space<vmem>>
      %dma_wait3A_90 = tpu.memref_slice %arg3[%mul3A_2] : memref<4096xi32, #tpu.memory_space<hbm>> -> memref<128xi32, #tpu.memory_space<hbm>>
      %dma_wait3A_91 = arith.constant 0 : i32
      %dma_wait3A_92 = tpu.memref_slice %arg7[%dma_wait3A_91] : memref<144xi32, #tpu.memory_space<vmem>> -> memref<128xi32, #tpu.memory_space<vmem>>
      %dma_wait3A_93 = tpu.memref_slice %arg3[%mul3A_2] : memref<4096xi32, #tpu.memory_space<hbm>> -> memref<128xi32, #tpu.memory_space<hbm>>
      tpu.wait_dma2 semaphore(%run_scoped3A : memref<!tpu.dma_semaphore, #tpu.memory_space<semaphore_mem>>) src(%dma_wait3A_93 : memref<128xi32, #tpu.memory_space<hbm>>) dst(%dma_wait3A_92 : memref<128xi32, #tpu.memory_space<vmem>>)
      tpu.yield
    }) : () -> ()
    %scan3A = arith.constant 0 : i32
    %scan3A_3 = arith.constant 0 : i32
    %scan3A_4 = arith.constant 32 : i32
    %scan3A_5 = arith.addi %scan3A_3, %scan3A_4 : i32
    %scan3A_6 = arith.constant 1 : i32
    scf.for %scan3A_83 = %scan3A_3 to %scan3A_5 step %scan3A_6  : i32 {
      %mul3A_84 = arith.constant 4 : i32
      %mul3A_85 = arith.muli %scan3A_83, %mul3A_84 : i32
      %gt3A = arith.constant 0 : i32
      %gt3A_86 = arith.cmpi sgt, %scan3A_83, %gt3A : i32
      %convert_element_type3A = arith.extui %gt3A_86 : i1 to i32
      %cond3A = arith.constant 0 : i32
      %cond3A_87 = arith.cmpi ne, %convert_element_type3A, %cond3A : i32
      scf.if %cond3A_87 {
        %sub3A = arith.constant 1 : i32
        %sub3A_390 = arith.subi %scan3A_83, %sub3A : i32
        %mul3A_391 = arith.constant 4 : i32
        %mul3A_392 = arith.muli %sub3A_390, %mul3A_391 : i32
        %add3A_393 = arith.constant 0 : i32
        %add3A_394 = arith.addi %mul3A_392, %add3A_393 : i32
        %add3A_395 = arith.addi %mul3A_2, %add3A_394 : i32
        %dma_wait3A_396 = arith.constant 0 : i32
        %dma_wait3A_397 = arith.constant 0 : i32
        %dma_wait3A_398 = arith.constant 0 : i32
        %dma_wait3A_399 = tpu.memref_slice %arg8[%dma_wait3A_396, %dma_wait3A_397, %dma_wait3A_398] : memref<4x200x64xf32, #tpu.memory_space<vmem>> -> memref<1x200x64xf32, #tpu.memory_space<vmem>>
        %dma_wait3A_400 = tpu.memref_squeeze %dma_wait3A_399 : memref<1x200x64xf32, #tpu.memory_space<vmem>> -> memref<200x64xf32, #tpu.memory_space<vmem>>
        %dma_wait3A_401 = arith.constant 0 : i32
        %dma_wait3A_402 = arith.constant 0 : i32
        %dma_wait3A_403 = tpu.memref_slice %arg5[%add3A_395, %dma_wait3A_401, %dma_wait3A_402] : memref<4096x200x64xf32, #tpu.memory_space<hbm>> -> memref<1x200x64xf32, #tpu.memory_space<hbm>>
        %dma_wait3A_404 = tpu.memref_squeeze %dma_wait3A_403 : memref<1x200x64xf32, #tpu.memory_space<hbm>> -> memref<200x64xf32, #tpu.memory_space<hbm>>
        %dma_wait3A_405 = arith.constant 0 : i32
        %dma_wait3A_406 = arith.constant 0 : i32
        %dma_wait3A_407 = tpu.memref_slice %arg5[%add3A_395, %dma_wait3A_405, %dma_wait3A_406] : memref<4096x200x64xf32, #tpu.memory_space<hbm>> -> memref<1x200x64xf32, #tpu.memory_space<hbm>>
        %dma_wait3A_408 = tpu.memref_squeeze %dma_wait3A_407 : memref<1x200x64xf32, #tpu.memory_space<hbm>> -> memref<200x64xf32, #tpu.memory_space<hbm>>
        %dma_wait3A_409 = arith.constant 0 : i32
        %dma_wait3A_410 = arith.constant 0 : i32
        %dma_wait3A_411 = tpu.memref_slice %arg8[%dma_wait3A_396, %dma_wait3A_409, %dma_wait3A_410] : memref<4x200x64xf32, #tpu.memory_space<vmem>> -> memref<1x200x64xf32, #tpu.memory_space<vmem>>
        %dma_wait3A_412 = tpu.memref_squeeze %dma_wait3A_411 : memref<1x200x64xf32, #tpu.memory_space<vmem>> -> memref<200x64xf32, #tpu.memory_space<vmem>>
        tpu.wait_dma2 semaphore(%arg13 : memref<!tpu.dma_semaphore, #tpu.memory_space<semaphore_mem>>) src(%dma_wait3A_412 : memref<200x64xf32, #tpu.memory_space<vmem>>) dst(%dma_wait3A_408 : memref<200x64xf32, #tpu.memory_space<hbm>>)
      } else {
      }
      %add3A_88 = arith.constant 0 : i32
      %add3A_89 = arith.addi %mul3A_85, %add3A_88 : i32
      %add3A_90 = arith.addi %mul3A_2, %add3A_89 : i32
      %dma_start3A = arith.constant 0 : i32
      %dma_start3A_91 = arith.constant 0 : i32
      %dma_start3A_92 = arith.constant 0 : i32
      %dma_start3A_93 = tpu.memref_slice %arg8[%dma_start3A, %dma_start3A_91, %dma_start3A_92] : memref<4x200x64xf32, #tpu.memory_space<vmem>> -> memref<1x200x64xf32, #tpu.memory_space<vmem>>
      %dma_start3A_94 = tpu.memref_squeeze %dma_start3A_93 : memref<1x200x64xf32, #tpu.memory_space<vmem>> -> memref<200x64xf32, #tpu.memory_space<vmem>>
      %dma_start3A_95 = arith.constant 0 : i32
      %dma_start3A_96 = arith.constant 0 : i32
      %dma_start3A_97 = tpu.memref_slice %arg2[%add3A_90, %dma_start3A_95, %dma_start3A_96] : memref<4096x200x64xf32, #tpu.memory_space<hbm>> -> memref<1x200x64xf32, #tpu.memory_space<hbm>>
      %dma_start3A_98 = tpu.memref_squeeze %dma_start3A_97 : memref<1x200x64xf32, #tpu.memory_space<hbm>> -> memref<200x64xf32, #tpu.memory_space<hbm>>
      %dma_start3A_99 = arith.constant 0 : i32
      %dma_start3A_100 = arith.constant 0 : i32
      %dma_start3A_101 = tpu.memref_slice %arg8[%dma_start3A, %dma_start3A_99, %dma_start3A_100] : memref<4x200x64xf32, #tpu.memory_space<vmem>> -> memref<1x200x64xf32, #tpu.memory_space<vmem>>
      %dma_start3A_102 = tpu.memref_squeeze %dma_start3A_101 : memref<1x200x64xf32, #tpu.memory_space<vmem>> -> memref<200x64xf32, #tpu.memory_space<vmem>>
      %dma_start3A_103 = arith.constant 0 : i32
      %dma_start3A_104 = arith.constant 0 : i32
      %dma_start3A_105 = tpu.memref_slice %arg2[%add3A_90, %dma_start3A_103, %dma_start3A_104] : memref<4096x200x64xf32, #tpu.memory_space<hbm>> -> memref<1x200x64xf32, #tpu.memory_space<hbm>>
      %dma_start3A_106 = tpu.memref_squeeze %dma_start3A_105 : memref<1x200x64xf32, #tpu.memory_space<hbm>> -> memref<200x64xf32, #tpu.memory_space<hbm>>
      tpu.enqueue_dma source(%dma_start3A_106 : memref<200x64xf32, #tpu.memory_space<hbm>>) target(%dma_start3A_102 : memref<200x64xf32, #tpu.memory_space<vmem>>) target_semaphore(%arg9 : memref<!tpu.dma_semaphore, #tpu.memory_space<semaphore_mem>>)
      %gt3A_107 = arith.constant 0 : i32
      %gt3A_108 = arith.cmpi sgt, %scan3A_83, %gt3A_107 : i32
      %convert_element_type3A_109 = arith.extui %gt3A_108 : i1 to i32
      %cond3A_110 = arith.constant 0 : i32
      %cond3A_111 = arith.cmpi ne, %convert_element_type3A_109, %cond3A_110 : i32
      scf.if %cond3A_111 {
        %sub3A = arith.constant 1 : i32
        %sub3A_390 = arith.subi %scan3A_83, %sub3A : i32
        %mul3A_391 = arith.constant 4 : i32
        %mul3A_392 = arith.muli %sub3A_390, %mul3A_391 : i32
        %add3A_393 = arith.constant 1 : i32
        %add3A_394 = arith.addi %mul3A_392, %add3A_393 : i32
        %add3A_395 = arith.addi %mul3A_2, %add3A_394 : i32
        %dma_wait3A_396 = arith.constant 1 : i32
        %dma_wait3A_397 = arith.constant 0 : i32
        %dma_wait3A_398 = arith.constant 0 : i32
        %dma_wait3A_399 = tpu.memref_slice %arg8[%dma_wait3A_396, %dma_wait3A_397, %dma_wait3A_398] : memref<4x200x64xf32, #tpu.memory_space<vmem>> -> memref<1x200x64xf32, #tpu.memory_space<vmem>>
        %dma_wait3A_400 = tpu.memref_squeeze %dma_wait3A_399 : memref<1x200x64xf32, #tpu.memory_space<vmem>> -> memref<200x64xf32, #tpu.memory_space<vmem>>
        %dma_wait3A_401 = arith.constant 0 : i32
        %dma_wait3A_402 = arith.constant 0 : i32
        %dma_wait3A_403 = tpu.memref_slice %arg5[%add3A_395, %dma_wait3A_401, %dma_wait3A_402] : memref<4096x200x64xf32, #tpu.memory_space<hbm>> -> memref<1x200x64xf32, #tpu.memory_space<hbm>>
        %dma_wait3A_404 = tpu.memref_squeeze %dma_wait3A_403 : memref<1x200x64xf32, #tpu.memory_space<hbm>> -> memref<200x64xf32, #tpu.memory_space<hbm>>
        %dma_wait3A_405 = arith.constant 0 : i32
        %dma_wait3A_406 = arith.constant 0 : i32
        %dma_wait3A_407 = tpu.memref_slice %arg5[%add3A_395, %dma_wait3A_405, %dma_wait3A_406] : memref<4096x200x64xf32, #tpu.memory_space<hbm>> -> memref<1x200x64xf32, #tpu.memory_space<hbm>>
        %dma_wait3A_408 = tpu.memref_squeeze %dma_wait3A_407 : memref<1x200x64xf32, #tpu.memory_space<hbm>> -> memref<200x64xf32, #tpu.memory_space<hbm>>
        %dma_wait3A_409 = arith.constant 0 : i32
        %dma_wait3A_410 = arith.constant 0 : i32
        %dma_wait3A_411 = tpu.memref_slice %arg8[%dma_wait3A_396, %dma_wait3A_409, %dma_wait3A_410] : memref<4x200x64xf32, #tpu.memory_space<vmem>> -> memref<1x200x64xf32, #tpu.memory_space<vmem>>
        %dma_wait3A_412 = tpu.memref_squeeze %dma_wait3A_411 : memref<1x200x64xf32, #tpu.memory_space<vmem>> -> memref<200x64xf32, #tpu.memory_space<vmem>>
        tpu.wait_dma2 semaphore(%arg14 : memref<!tpu.dma_semaphore, #tpu.memory_space<semaphore_mem>>) src(%dma_wait3A_412 : memref<200x64xf32, #tpu.memory_space<vmem>>) dst(%dma_wait3A_408 : memref<200x64xf32, #tpu.memory_space<hbm>>)
      } else {
      }
      %add3A_112 = arith.constant 1 : i32
      %add3A_113 = arith.addi %mul3A_85, %add3A_112 : i32
      %add3A_114 = arith.addi %mul3A_2, %add3A_113 : i32
      %dma_start3A_115 = arith.constant 1 : i32
      %dma_start3A_116 = arith.constant 0 : i32
      %dma_start3A_117 = arith.constant 0 : i32
      %dma_start3A_118 = tpu.memref_slice %arg8[%dma_start3A_115, %dma_start3A_116, %dma_start3A_117] : memref<4x200x64xf32, #tpu.memory_space<vmem>> -> memref<1x200x64xf32, #tpu.memory_space<vmem>>
      %dma_start3A_119 = tpu.memref_squeeze %dma_start3A_118 : memref<1x200x64xf32, #tpu.memory_space<vmem>> -> memref<200x64xf32, #tpu.memory_space<vmem>>
      %dma_start3A_120 = arith.constant 0 : i32
      %dma_start3A_121 = arith.constant 0 : i32
      %dma_start3A_122 = tpu.memref_slice %arg2[%add3A_114, %dma_start3A_120, %dma_start3A_121] : memref<4096x200x64xf32, #tpu.memory_space<hbm>> -> memref<1x200x64xf32, #tpu.memory_space<hbm>>
      %dma_start3A_123 = tpu.memref_squeeze %dma_start3A_122 : memref<1x200x64xf32, #tpu.memory_space<hbm>> -> memref<200x64xf32, #tpu.memory_space<hbm>>
      %dma_start3A_124 = arith.constant 0 : i32
      %dma_start3A_125 = arith.constant 0 : i32
      %dma_start3A_126 = tpu.memref_slice %arg8[%dma_start3A_115, %dma_start3A_124, %dma_start3A_125] : memref<4x200x64xf32, #tpu.memory_space<vmem>> -> memref<1x200x64xf32, #tpu.memory_space<vmem>>
      %dma_start3A_127 = tpu.memref_squeeze %dma_start3A_126 : memref<1x200x64xf32, #tpu.memory_space<vmem>> -> memref<200x64xf32, #tpu.memory_space<vmem>>
      %dma_start3A_128 = arith.constant 0 : i32
      %dma_start3A_129 = arith.constant 0 : i32
      %dma_start3A_130 = tpu.memref_slice %arg2[%add3A_114, %dma_start3A_128, %dma_start3A_129] : memref<4096x200x64xf32, #tpu.memory_space<hbm>> -> memref<1x200x64xf32, #tpu.memory_space<hbm>>
      %dma_start3A_131 = tpu.memref_squeeze %dma_start3A_130 : memref<1x200x64xf32, #tpu.memory_space<hbm>> -> memref<200x64xf32, #tpu.memory_space<hbm>>
      tpu.enqueue_dma source(%dma_start3A_131 : memref<200x64xf32, #tpu.memory_space<hbm>>) target(%dma_start3A_127 : memref<200x64xf32, #tpu.memory_space<vmem>>) target_semaphore(%arg10 : memref<!tpu.dma_semaphore, #tpu.memory_space<semaphore_mem>>)
      %gt3A_132 = arith.constant 0 : i32
      %gt3A_133 = arith.cmpi sgt, %scan3A_83, %gt3A_132 : i32
      %convert_element_type3A_134 = arith.extui %gt3A_133 : i1 to i32
      %cond3A_135 = arith.constant 0 : i32
      %cond3A_136 = arith.cmpi ne, %convert_element_type3A_134, %cond3A_135 : i32
      scf.if %cond3A_136 {
        %sub3A = arith.constant 1 : i32
        %sub3A_390 = arith.subi %scan3A_83, %sub3A : i32
        %mul3A_391 = arith.constant 4 : i32
        %mul3A_392 = arith.muli %sub3A_390, %mul3A_391 : i32
        %add3A_393 = arith.constant 2 : i32
        %add3A_394 = arith.addi %mul3A_392, %add3A_393 : i32
        %add3A_395 = arith.addi %mul3A_2, %add3A_394 : i32
        %dma_wait3A_396 = arith.constant 2 : i32
        %dma_wait3A_397 = arith.constant 0 : i32
        %dma_wait3A_398 = arith.constant 0 : i32
        %dma_wait3A_399 = tpu.memref_slice %arg8[%dma_wait3A_396, %dma_wait3A_397, %dma_wait3A_398] : memref<4x200x64xf32, #tpu.memory_space<vmem>> -> memref<1x200x64xf32, #tpu.memory_space<vmem>>
        %dma_wait3A_400 = tpu.memref_squeeze %dma_wait3A_399 : memref<1x200x64xf32, #tpu.memory_space<vmem>> -> memref<200x64xf32, #tpu.memory_space<vmem>>
        %dma_wait3A_401 = arith.constant 0 : i32
        %dma_wait3A_402 = arith.constant 0 : i32
        %dma_wait3A_403 = tpu.memref_slice %arg5[%add3A_395, %dma_wait3A_401, %dma_wait3A_402] : memref<4096x200x64xf32, #tpu.memory_space<hbm>> -> memref<1x200x64xf32, #tpu.memory_space<hbm>>
        %dma_wait3A_404 = tpu.memref_squeeze %dma_wait3A_403 : memref<1x200x64xf32, #tpu.memory_space<hbm>> -> memref<200x64xf32, #tpu.memory_space<hbm>>
        %dma_wait3A_405 = arith.constant 0 : i32
        %dma_wait3A_406 = arith.constant 0 : i32
        %dma_wait3A_407 = tpu.memref_slice %arg5[%add3A_395, %dma_wait3A_405, %dma_wait3A_406] : memref<4096x200x64xf32, #tpu.memory_space<hbm>> -> memref<1x200x64xf32, #tpu.memory_space<hbm>>
        %dma_wait3A_408 = tpu.memref_squeeze %dma_wait3A_407 : memref<1x200x64xf32, #tpu.memory_space<hbm>> -> memref<200x64xf32, #tpu.memory_space<hbm>>
        %dma_wait3A_409 = arith.constant 0 : i32
        %dma_wait3A_410 = arith.constant 0 : i32
        %dma_wait3A_411 = tpu.memref_slice %arg8[%dma_wait3A_396, %dma_wait3A_409, %dma_wait3A_410] : memref<4x200x64xf32, #tpu.memory_space<vmem>> -> memref<1x200x64xf32, #tpu.memory_space<vmem>>
        %dma_wait3A_412 = tpu.memref_squeeze %dma_wait3A_411 : memref<1x200x64xf32, #tpu.memory_space<vmem>> -> memref<200x64xf32, #tpu.memory_space<vmem>>
        tpu.wait_dma2 semaphore(%arg15 : memref<!tpu.dma_semaphore, #tpu.memory_space<semaphore_mem>>) src(%dma_wait3A_412 : memref<200x64xf32, #tpu.memory_space<vmem>>) dst(%dma_wait3A_408 : memref<200x64xf32, #tpu.memory_space<hbm>>)
      } else {
      }
      %add3A_137 = arith.constant 2 : i32
      %add3A_138 = arith.addi %mul3A_85, %add3A_137 : i32
      %add3A_139 = arith.addi %mul3A_2, %add3A_138 : i32
      %dma_start3A_140 = arith.constant 2 : i32
      %dma_start3A_141 = arith.constant 0 : i32
      %dma_start3A_142 = arith.constant 0 : i32
      %dma_start3A_143 = tpu.memref_slice %arg8[%dma_start3A_140, %dma_start3A_141, %dma_start3A_142] : memref<4x200x64xf32, #tpu.memory_space<vmem>> -> memref<1x200x64xf32, #tpu.memory_space<vmem>>
      %dma_start3A_144 = tpu.memref_squeeze %dma_start3A_143 : memref<1x200x64xf32, #tpu.memory_space<vmem>> -> memref<200x64xf32, #tpu.memory_space<vmem>>
      %dma_start3A_145 = arith.constant 0 : i32
      %dma_start3A_146 = arith.constant 0 : i32
      %dma_start3A_147 = tpu.memref_slice %arg2[%add3A_139, %dma_start3A_145, %dma_start3A_146] : memref<4096x200x64xf32, #tpu.memory_space<hbm>> -> memref<1x200x64xf32, #tpu.memory_space<hbm>>
      %dma_start3A_148 = tpu.memref_squeeze %dma_start3A_147 : memref<1x200x64xf32, #tpu.memory_space<hbm>> -> memref<200x64xf32, #tpu.memory_space<hbm>>
      %dma_start3A_149 = arith.constant 0 : i32
      %dma_start3A_150 = arith.constant 0 : i32
      %dma_start3A_151 = tpu.memref_slice %arg8[%dma_start3A_140, %dma_start3A_149, %dma_start3A_150] : memref<4x200x64xf32, #tpu.memory_space<vmem>> -> memref<1x200x64xf32, #tpu.memory_space<vmem>>
      %dma_start3A_152 = tpu.memref_squeeze %dma_start3A_151 : memref<1x200x64xf32, #tpu.memory_space<vmem>> -> memref<200x64xf32, #tpu.memory_space<vmem>>
      %dma_start3A_153 = arith.constant 0 : i32
      %dma_start3A_154 = arith.constant 0 : i32
      %dma_start3A_155 = tpu.memref_slice %arg2[%add3A_139, %dma_start3A_153, %dma_start3A_154] : memref<4096x200x64xf32, #tpu.memory_space<hbm>> -> memref<1x200x64xf32, #tpu.memory_space<hbm>>
      %dma_start3A_156 = tpu.memref_squeeze %dma_start3A_155 : memref<1x200x64xf32, #tpu.memory_space<hbm>> -> memref<200x64xf32, #tpu.memory_space<hbm>>
      tpu.enqueue_dma source(%dma_start3A_156 : memref<200x64xf32, #tpu.memory_space<hbm>>) target(%dma_start3A_152 : memref<200x64xf32, #tpu.memory_space<vmem>>) target_semaphore(%arg11 : memref<!tpu.dma_semaphore, #tpu.memory_space<semaphore_mem>>)
      %gt3A_157 = arith.constant 0 : i32
      %gt3A_158 = arith.cmpi sgt, %scan3A_83, %gt3A_157 : i32
      %convert_element_type3A_159 = arith.extui %gt3A_158 : i1 to i32
      %cond3A_160 = arith.constant 0 : i32
      %cond3A_161 = arith.cmpi ne, %convert_element_type3A_159, %cond3A_160 : i32
      scf.if %cond3A_161 {
        %sub3A = arith.constant 1 : i32
        %sub3A_390 = arith.subi %scan3A_83, %sub3A : i32
        %mul3A_391 = arith.constant 4 : i32
        %mul3A_392 = arith.muli %sub3A_390, %mul3A_391 : i32
        %add3A_393 = arith.constant 3 : i32
        %add3A_394 = arith.addi %mul3A_392, %add3A_393 : i32
        %add3A_395 = arith.addi %mul3A_2, %add3A_394 : i32
        %dma_wait3A_396 = arith.constant 3 : i32
        %dma_wait3A_397 = arith.constant 0 : i32
        %dma_wait3A_398 = arith.constant 0 : i32
        %dma_wait3A_399 = tpu.memref_slice %arg8[%dma_wait3A_396, %dma_wait3A_397, %dma_wait3A_398] : memref<4x200x64xf32, #tpu.memory_space<vmem>> -> memref<1x200x64xf32, #tpu.memory_space<vmem>>
        %dma_wait3A_400 = tpu.memref_squeeze %dma_wait3A_399 : memref<1x200x64xf32, #tpu.memory_space<vmem>> -> memref<200x64xf32, #tpu.memory_space<vmem>>
        %dma_wait3A_401 = arith.constant 0 : i32
        %dma_wait3A_402 = arith.constant 0 : i32
        %dma_wait3A_403 = tpu.memref_slice %arg5[%add3A_395, %dma_wait3A_401, %dma_wait3A_402] : memref<4096x200x64xf32, #tpu.memory_space<hbm>> -> memref<1x200x64xf32, #tpu.memory_space<hbm>>
        %dma_wait3A_404 = tpu.memref_squeeze %dma_wait3A_403 : memref<1x200x64xf32, #tpu.memory_space<hbm>> -> memref<200x64xf32, #tpu.memory_space<hbm>>
        %dma_wait3A_405 = arith.constant 0 : i32
        %dma_wait3A_406 = arith.constant 0 : i32
        %dma_wait3A_407 = tpu.memref_slice %arg5[%add3A_395, %dma_wait3A_405, %dma_wait3A_406] : memref<4096x200x64xf32, #tpu.memory_space<hbm>> -> memref<1x200x64xf32, #tpu.memory_space<hbm>>
        %dma_wait3A_408 = tpu.memref_squeeze %dma_wait3A_407 : memref<1x200x64xf32, #tpu.memory_space<hbm>> -> memref<200x64xf32, #tpu.memory_space<hbm>>
        %dma_wait3A_409 = arith.constant 0 : i32
        %dma_wait3A_410 = arith.constant 0 : i32
        %dma_wait3A_411 = tpu.memref_slice %arg8[%dma_wait3A_396, %dma_wait3A_409, %dma_wait3A_410] : memref<4x200x64xf32, #tpu.memory_space<vmem>> -> memref<1x200x64xf32, #tpu.memory_space<vmem>>
        %dma_wait3A_412 = tpu.memref_squeeze %dma_wait3A_411 : memref<1x200x64xf32, #tpu.memory_space<vmem>> -> memref<200x64xf32, #tpu.memory_space<vmem>>
        tpu.wait_dma2 semaphore(%arg16 : memref<!tpu.dma_semaphore, #tpu.memory_space<semaphore_mem>>) src(%dma_wait3A_412 : memref<200x64xf32, #tpu.memory_space<vmem>>) dst(%dma_wait3A_408 : memref<200x64xf32, #tpu.memory_space<hbm>>)
      } else {
      }
      %add3A_162 = arith.constant 3 : i32
      %add3A_163 = arith.addi %mul3A_85, %add3A_162 : i32
      %add3A_164 = arith.addi %mul3A_2, %add3A_163 : i32
      %dma_start3A_165 = arith.constant 3 : i32
      %dma_start3A_166 = arith.constant 0 : i32
      %dma_start3A_167 = arith.constant 0 : i32
      %dma_start3A_168 = tpu.memref_slice %arg8[%dma_start3A_165, %dma_start3A_166, %dma_start3A_167] : memref<4x200x64xf32, #tpu.memory_space<vmem>> -> memref<1x200x64xf32, #tpu.memory_space<vmem>>
      %dma_start3A_169 = tpu.memref_squeeze %dma_start3A_168 : memref<1x200x64xf32, #tpu.memory_space<vmem>> -> memref<200x64xf32, #tpu.memory_space<vmem>>
      %dma_start3A_170 = arith.constant 0 : i32
      %dma_start3A_171 = arith.constant 0 : i32
      %dma_start3A_172 = tpu.memref_slice %arg2[%add3A_164, %dma_start3A_170, %dma_start3A_171] : memref<4096x200x64xf32, #tpu.memory_space<hbm>> -> memref<1x200x64xf32, #tpu.memory_space<hbm>>
      %dma_start3A_173 = tpu.memref_squeeze %dma_start3A_172 : memref<1x200x64xf32, #tpu.memory_space<hbm>> -> memref<200x64xf32, #tpu.memory_space<hbm>>
      %dma_start3A_174 = arith.constant 0 : i32
      %dma_start3A_175 = arith.constant 0 : i32
      %dma_start3A_176 = tpu.memref_slice %arg8[%dma_start3A_165, %dma_start3A_174, %dma_start3A_175] : memref<4x200x64xf32, #tpu.memory_space<vmem>> -> memref<1x200x64xf32, #tpu.memory_space<vmem>>
      %dma_start3A_177 = tpu.memref_squeeze %dma_start3A_176 : memref<1x200x64xf32, #tpu.memory_space<vmem>> -> memref<200x64xf32, #tpu.memory_space<vmem>>
      %dma_start3A_178 = arith.constant 0 : i32
      %dma_start3A_179 = arith.constant 0 : i32
      %dma_start3A_180 = tpu.memref_slice %arg2[%add3A_164, %dma_start3A_178, %dma_start3A_179] : memref<4096x200x64xf32, #tpu.memory_space<hbm>> -> memref<1x200x64xf32, #tpu.memory_space<hbm>>
      %dma_start3A_181 = tpu.memref_squeeze %dma_start3A_180 : memref<1x200x64xf32, #tpu.memory_space<hbm>> -> memref<200x64xf32, #tpu.memory_space<hbm>>
      tpu.enqueue_dma source(%dma_start3A_181 : memref<200x64xf32, #tpu.memory_space<hbm>>) target(%dma_start3A_177 : memref<200x64xf32, #tpu.memory_space<vmem>>) target_semaphore(%arg12 : memref<!tpu.dma_semaphore, #tpu.memory_space<semaphore_mem>>)
      %add3A_182 = arith.constant 0 : i32
      %add3A_183 = arith.addi %mul3A_85, %add3A_182 : i32
      %add3A_184 = arith.addi %mul3A_2, %add3A_183 : i32
      %dma_wait3A_185 = arith.constant 0 : i32
      %dma_wait3A_186 = arith.constant 0 : i32
      %dma_wait3A_187 = arith.constant 0 : i32
      %dma_wait3A_188 = tpu.memref_slice %arg8[%dma_wait3A_185, %dma_wait3A_186, %dma_wait3A_187] : memref<4x200x64xf32, #tpu.memory_space<vmem>> -> memref<1x200x64xf32, #tpu.memory_space<vmem>>
      %dma_wait3A_189 = tpu.memref_squeeze %dma_wait3A_188 : memref<1x200x64xf32, #tpu.memory_space<vmem>> -> memref<200x64xf32, #tpu.memory_space<vmem>>
      %dma_wait3A_190 = arith.constant 0 : i32
      %dma_wait3A_191 = arith.constant 0 : i32
      %dma_wait3A_192 = tpu.memref_slice %arg2[%add3A_184, %dma_wait3A_190, %dma_wait3A_191] : memref<4096x200x64xf32, #tpu.memory_space<hbm>> -> memref<1x200x64xf32, #tpu.memory_space<hbm>>
      %dma_wait3A_193 = tpu.memref_squeeze %dma_wait3A_192 : memref<1x200x64xf32, #tpu.memory_space<hbm>> -> memref<200x64xf32, #tpu.memory_space<hbm>>
      %dma_wait3A_194 = arith.constant 0 : i32
      %dma_wait3A_195 = arith.constant 0 : i32
      %dma_wait3A_196 = tpu.memref_slice %arg8[%dma_wait3A_185, %dma_wait3A_194, %dma_wait3A_195] : memref<4x200x64xf32, #tpu.memory_space<vmem>> -> memref<1x200x64xf32, #tpu.memory_space<vmem>>
      %dma_wait3A_197 = tpu.memref_squeeze %dma_wait3A_196 : memref<1x200x64xf32, #tpu.memory_space<vmem>> -> memref<200x64xf32, #tpu.memory_space<vmem>>
      %dma_wait3A_198 = arith.constant 0 : i32
      %dma_wait3A_199 = arith.constant 0 : i32
      %dma_wait3A_200 = tpu.memref_slice %arg2[%add3A_184, %dma_wait3A_198, %dma_wait3A_199] : memref<4096x200x64xf32, #tpu.memory_space<hbm>> -> memref<1x200x64xf32, #tpu.memory_space<hbm>>
      %dma_wait3A_201 = tpu.memref_squeeze %dma_wait3A_200 : memref<1x200x64xf32, #tpu.memory_space<hbm>> -> memref<200x64xf32, #tpu.memory_space<hbm>>
      tpu.wait_dma2 semaphore(%arg9 : memref<!tpu.dma_semaphore, #tpu.memory_space<semaphore_mem>>) src(%dma_wait3A_201 : memref<200x64xf32, #tpu.memory_space<hbm>>) dst(%dma_wait3A_197 : memref<200x64xf32, #tpu.memory_space<vmem>>)
      %get3A = arith.index_cast %add3A_183 : i32 to index
      %get3A_202 = tpu.vector_load %arg7[%get3A] {strides = array<i32>} : memref<144xi32, #tpu.memory_space<vmem>>, vector<16xi32>,
      %get3A_203 = vector.shape_cast %get3A_202 : vector<16xi32> to vector<16xi32>
      %slice3A = vector.extract_strided_slice %get3A_203 {offsets = [0], sizes = [1], strides = [1]} : vector<16xi32> to vector<1xi32>
      %squeeze3A = vector.extract %slice3A[0] : i32 from vector<1xi32>
      %while3A = arith.constant 0 : i32
      %while3A_204 = arith.constant 0 : i32
      %while3A_205 = arith.subi %squeeze3A, %while3A_204 : i32
      %while3A_206 = arith.addi %while3A_204, %while3A_205 : i32
      %while3A_207 = arith.constant 1 : i32
      %while3A_208 = arith.divsi %while3A_205, %while3A_207 : i32
      %while3A_209 = arith.muli %while3A_208, %while3A_207 : i32
      %while3A_210 = arith.addi %while3A_204, %while3A_209 : i32
      %while3A_211 = arith.constant 1 : i32
      scf.for %while3A_390 = %while3A_204 to %while3A_210 step %while3A_211  : i32 {
        %get3A_391 = arith.index_cast %while3A_390 : i32 to index
        %get3A_392 = arith.constant 0 : index
        %get3A_393 = tpu.vector_load %arg6[%get3A_391, %get3A_392] {strides = array<i32>} : memref<200x64xf32, #tpu.memory_space<vmem>>, vector<1x16xf32>,
        %get3A_394 = vector.shape_cast %get3A_393 : vector<1x16xf32> to vector<16xf32>
        %swap3A = arith.constant 0 : i32
        %swap3A_395 = arith.index_cast %swap3A : i32 to index
        %swap3A_396 = arith.index_cast %while3A_390 : i32 to index
        %swap3A_397 = arith.constant 0 : index
        %swap3A_398 = tpu.vector_load %arg8[%swap3A_395, %swap3A_396, %swap3A_397] {strides = array<i32>} : memref<4x200x64xf32, #tpu.memory_space<vmem>>, vector<1x1x16xf32>,
        %swap3A_399 = vector.shape_cast %swap3A_398 : vector<1x1x16xf32> to vector<16xf32>
        %swap3A_400 = vector.shape_cast %get3A_394 : vector<16xf32> to vector<1x1x16xf32>
        tpu.vector_store %arg8[%swap3A_395, %swap3A_396, %swap3A_397], %swap3A_400 {add = true, strides = array<i32>} : memref<4x200x64xf32, #tpu.memory_space<vmem>>, vector<1x1x16xf32>,
        %get3A_401 = arith.index_cast %while3A_390 : i32 to index
        %get3A_402 = arith.constant 16 : index
        %get3A_403 = tpu.vector_load %arg6[%get3A_401, %get3A_402] {strides = array<i32>} : memref<200x64xf32, #tpu.memory_space<vmem>>, vector<1x16xf32>,
        %get3A_404 = vector.shape_cast %get3A_403 : vector<1x16xf32> to vector<16xf32>
        %swap3A_405 = arith.constant 0 : i32
        %swap3A_406 = arith.index_cast %swap3A_405 : i32 to index
        %swap3A_407 = arith.index_cast %while3A_390 : i32 to index
        %swap3A_408 = arith.constant 16 : index
        %swap3A_409 = tpu.vector_load %arg8[%swap3A_406, %swap3A_407, %swap3A_408] {strides = array<i32>} : memref<4x200x64xf32, #tpu.memory_space<vmem>>, vector<1x1x16xf32>,
        %swap3A_410 = vector.shape_cast %swap3A_409 : vector<1x1x16xf32> to vector<16xf32>
        %swap3A_411 = vector.shape_cast %get3A_404 : vector<16xf32> to vector<1x1x16xf32>
        tpu.vector_store %arg8[%swap3A_406, %swap3A_407, %swap3A_408], %swap3A_411 {add = true, strides = array<i32>} : memref<4x200x64xf32, #tpu.memory_space<vmem>>, vector<1x1x16xf32>,
        %get3A_412 = arith.index_cast %while3A_390 : i32 to index
        %get3A_413 = arith.constant 32 : index
        %get3A_414 = tpu.vector_load %arg6[%get3A_412, %get3A_413] {strides = array<i32>} : memref<200x64xf32, #tpu.memory_space<vmem>>, vector<1x16xf32>,
        %get3A_415 = vector.shape_cast %get3A_414 : vector<1x16xf32> to vector<16xf32>
        %swap3A_416 = arith.constant 0 : i32
        %swap3A_417 = arith.index_cast %swap3A_416 : i32 to index
        %swap3A_418 = arith.index_cast %while3A_390 : i32 to index
        %swap3A_419 = arith.constant 32 : index
        %swap3A_420 = tpu.vector_load %arg8[%swap3A_417, %swap3A_418, %swap3A_419] {strides = array<i32>} : memref<4x200x64xf32, #tpu.memory_space<vmem>>, vector<1x1x16xf32>,
        %swap3A_421 = vector.shape_cast %swap3A_420 : vector<1x1x16xf32> to vector<16xf32>
        %swap3A_422 = vector.shape_cast %get3A_415 : vector<16xf32> to vector<1x1x16xf32>
        tpu.vector_store %arg8[%swap3A_417, %swap3A_418, %swap3A_419], %swap3A_422 {add = true, strides = array<i32>} : memref<4x200x64xf32, #tpu.memory_space<vmem>>, vector<1x1x16xf32>,
        %get3A_423 = arith.index_cast %while3A_390 : i32 to index
        %get3A_424 = arith.constant 48 : index
        %get3A_425 = tpu.vector_load %arg6[%get3A_423, %get3A_424] {strides = array<i32>} : memref<200x64xf32, #tpu.memory_space<vmem>>, vector<1x16xf32>,
        %get3A_426 = vector.shape_cast %get3A_425 : vector<1x16xf32> to vector<16xf32>
        %swap3A_427 = arith.constant 0 : i32
        %swap3A_428 = arith.index_cast %swap3A_427 : i32 to index
        %swap3A_429 = arith.index_cast %while3A_390 : i32 to index
        %swap3A_430 = arith.constant 48 : index
        %swap3A_431 = tpu.vector_load %arg8[%swap3A_428, %swap3A_429, %swap3A_430] {strides = array<i32>} : memref<4x200x64xf32, #tpu.memory_space<vmem>>, vector<1x1x16xf32>,
        %swap3A_432 = vector.shape_cast %swap3A_431 : vector<1x1x16xf32> to vector<16xf32>
        %swap3A_433 = vector.shape_cast %get3A_426 : vector<16xf32> to vector<1x1x16xf32>
        tpu.vector_store %arg8[%swap3A_428, %swap3A_429, %swap3A_430], %swap3A_433 {add = true, strides = array<i32>} : memref<4x200x64xf32, #tpu.memory_space<vmem>>, vector<1x1x16xf32>,
      }
      %while3A_212 = arith.constant 1 : i32
      scf.for %while3A_390 = %while3A_210 to %while3A_206 step %while3A_212  : i32 {
        %get3A_391 = arith.index_cast %while3A_390 : i32 to index
        %get3A_392 = arith.constant 0 : index
        %get3A_393 = tpu.vector_load %arg6[%get3A_391, %get3A_392] {strides = array<i32>} : memref<200x64xf32, #tpu.memory_space<vmem>>, vector<1x16xf32>,
        %get3A_394 = vector.shape_cast %get3A_393 : vector<1x16xf32> to vector<16xf32>
        %swap3A = arith.constant 0 : i32
        %swap3A_395 = arith.index_cast %swap3A : i32 to index
        %swap3A_396 = arith.index_cast %while3A_390 : i32 to index
        %swap3A_397 = arith.constant 0 : index
        %swap3A_398 = tpu.vector_load %arg8[%swap3A_395, %swap3A_396, %swap3A_397] {strides = array<i32>} : memref<4x200x64xf32, #tpu.memory_space<vmem>>, vector<1x1x16xf32>,
        %swap3A_399 = vector.shape_cast %swap3A_398 : vector<1x1x16xf32> to vector<16xf32>
        %swap3A_400 = vector.shape_cast %get3A_394 : vector<16xf32> to vector<1x1x16xf32>
        tpu.vector_store %arg8[%swap3A_395, %swap3A_396, %swap3A_397], %swap3A_400 {add = true, strides = array<i32>} : memref<4x200x64xf32, #tpu.memory_space<vmem>>, vector<1x1x16xf32>,
        %get3A_401 = arith.index_cast %while3A_390 : i32 to index
        %get3A_402 = arith.constant 16 : index
        %get3A_403 = tpu.vector_load %arg6[%get3A_401, %get3A_402] {strides = array<i32>} : memref<200x64xf32, #tpu.memory_space<vmem>>, vector<1x16xf32>,
        %get3A_404 = vector.shape_cast %get3A_403 : vector<1x16xf32> to vector<16xf32>
        %swap3A_405 = arith.constant 0 : i32
        %swap3A_406 = arith.index_cast %swap3A_405 : i32 to index
        %swap3A_407 = arith.index_cast %while3A_390 : i32 to index
        %swap3A_408 = arith.constant 16 : index
        %swap3A_409 = tpu.vector_load %arg8[%swap3A_406, %swap3A_407, %swap3A_408] {strides = array<i32>} : memref<4x200x64xf32, #tpu.memory_space<vmem>>, vector<1x1x16xf32>,
        %swap3A_410 = vector.shape_cast %swap3A_409 : vector<1x1x16xf32> to vector<16xf32>
        %swap3A_411 = vector.shape_cast %get3A_404 : vector<16xf32> to vector<1x1x16xf32>
        tpu.vector_store %arg8[%swap3A_406, %swap3A_407, %swap3A_408], %swap3A_411 {add = true, strides = array<i32>} : memref<4x200x64xf32, #tpu.memory_space<vmem>>, vector<1x1x16xf32>,
        %get3A_412 = arith.index_cast %while3A_390 : i32 to index
        %get3A_413 = arith.constant 32 : index
        %get3A_414 = tpu.vector_load %arg6[%get3A_412, %get3A_413] {strides = array<i32>} : memref<200x64xf32, #tpu.memory_space<vmem>>, vector<1x16xf32>,
        %get3A_415 = vector.shape_cast %get3A_414 : vector<1x16xf32> to vector<16xf32>
        %swap3A_416 = arith.constant 0 : i32
        %swap3A_417 = arith.index_cast %swap3A_416 : i32 to index
        %swap3A_418 = arith.index_cast %while3A_390 : i32 to index
        %swap3A_419 = arith.constant 32 : index
        %swap3A_420 = tpu.vector_load %arg8[%swap3A_417, %swap3A_418, %swap3A_419] {strides = array<i32>} : memref<4x200x64xf32, #tpu.memory_space<vmem>>, vector<1x1x16xf32>,
        %swap3A_421 = vector.shape_cast %swap3A_420 : vector<1x1x16xf32> to vector<16xf32>
        %swap3A_422 = vector.shape_cast %get3A_415 : vector<16xf32> to vector<1x1x16xf32>
        tpu.vector_store %arg8[%swap3A_417, %swap3A_418, %swap3A_419], %swap3A_422 {add = true, strides = array<i32>} : memref<4x200x64xf32, #tpu.memory_space<vmem>>, vector<1x1x16xf32>,
        %get3A_423 = arith.index_cast %while3A_390 : i32 to index
        %get3A_424 = arith.constant 48 : index
        %get3A_425 = tpu.vector_load %arg6[%get3A_423, %get3A_424] {strides = array<i32>} : memref<200x64xf32, #tpu.memory_space<vmem>>, vector<1x16xf32>,
        %get3A_426 = vector.shape_cast %get3A_425 : vector<1x16xf32> to vector<16xf32>
        %swap3A_427 = arith.constant 0 : i32
        %swap3A_428 = arith.index_cast %swap3A_427 : i32 to index
        %swap3A_429 = arith.index_cast %while3A_390 : i32 to index
        %swap3A_430 = arith.constant 48 : index
        %swap3A_431 = tpu.vector_load %arg8[%swap3A_428, %swap3A_429, %swap3A_430] {strides = array<i32>} : memref<4x200x64xf32, #tpu.memory_space<vmem>>, vector<1x1x16xf32>,
        %swap3A_432 = vector.shape_cast %swap3A_431 : vector<1x1x16xf32> to vector<16xf32>
        %swap3A_433 = vector.shape_cast %get3A_426 : vector<16xf32> to vector<1x1x16xf32>
        tpu.vector_store %arg8[%swap3A_428, %swap3A_429, %swap3A_430], %swap3A_433 {add = true, strides = array<i32>} : memref<4x200x64xf32, #tpu.memory_space<vmem>>, vector<1x1x16xf32>,
      }
      %add3A_213 = arith.addi %mul3A_2, %add3A_183 : i32
      %dma_start3A_214 = arith.constant 0 : i32
      %dma_start3A_215 = arith.constant 0 : i32
      %dma_start3A_216 = arith.constant 0 : i32
      %dma_start3A_217 = tpu.memref_slice %arg8[%dma_start3A_214, %dma_start3A_215, %dma_start3A_216] : memref<4x200x64xf32, #tpu.memory_space<vmem>> -> memref<1x200x64xf32, #tpu.memory_space<vmem>>
      %dma_start3A_218 = tpu.memref_squeeze %dma_start3A_217 : memref<1x200x64xf32, #tpu.memory_space<vmem>> -> memref<200x64xf32, #tpu.memory_space<vmem>>
      %dma_start3A_219 = arith.constant 0 : i32
      %dma_start3A_220 = arith.constant 0 : i32
      %dma_start3A_221 = tpu.memref_slice %arg5[%add3A_213, %dma_start3A_219, %dma_start3A_220] : memref<4096x200x64xf32, #tpu.memory_space<hbm>> -> memref<1x200x64xf32, #tpu.memory_space<hbm>>
      %dma_start3A_222 = tpu.memref_squeeze %dma_start3A_221 : memref<1x200x64xf32, #tpu.memory_space<hbm>> -> memref<200x64xf32, #tpu.memory_space<hbm>>
      %dma_start3A_223 = arith.constant 0 : i32
      %dma_start3A_224 = arith.constant 0 : i32
      %dma_start3A_225 = tpu.memref_slice %arg5[%add3A_213, %dma_start3A_223, %dma_start3A_224] : memref<4096x200x64xf32, #tpu.memory_space<hbm>> -> memref<1x200x64xf32, #tpu.memory_space<hbm>>
      %dma_start3A_226 = tpu.memref_squeeze %dma_start3A_225 : memref<1x200x64xf32, #tpu.memory_space<hbm>> -> memref<200x64xf32, #tpu.memory_space<hbm>>
      %dma_start3A_227 = arith.constant 0 : i32
      %dma_start3A_228 = arith.constant 0 : i32
      %dma_start3A_229 = tpu.memref_slice %arg8[%dma_start3A_214, %dma_start3A_227, %dma_start3A_228] : memref<4x200x64xf32, #tpu.memory_space<vmem>> -> memref<1x200x64xf32, #tpu.memory_space<vmem>>
      %dma_start3A_230 = tpu.memref_squeeze %dma_start3A_229 : memref<1x200x64xf32, #tpu.memory_space<vmem>> -> memref<200x64xf32, #tpu.memory_space<vmem>>
      tpu.enqueue_dma source(%dma_start3A_230 : memref<200x64xf32, #tpu.memory_space<vmem>>) target(%dma_start3A_226 : memref<200x64xf32, #tpu.memory_space<hbm>>) target_semaphore(%arg13 : memref<!tpu.dma_semaphore, #tpu.memory_space<semaphore_mem>>)
      %add3A_231 = arith.constant 1 : i32
      %add3A_232 = arith.addi %mul3A_85, %add3A_231 : i32
      %add3A_233 = arith.addi %mul3A_2, %add3A_232 : i32
      %dma_wait3A_234 = arith.constant 1 : i32
      %dma_wait3A_235 = arith.constant 0 : i32
      %dma_wait3A_236 = arith.constant 0 : i32
      %dma_wait3A_237 = tpu.memref_slice %arg8[%dma_wait3A_234, %dma_wait3A_235, %dma_wait3A_236] : memref<4x200x64xf32, #tpu.memory_space<vmem>> -> memref<1x200x64xf32, #tpu.memory_space<vmem>>
      %dma_wait3A_238 = tpu.memref_squeeze %dma_wait3A_237 : memref<1x200x64xf32, #tpu.memory_space<vmem>> -> memref<200x64xf32, #tpu.memory_space<vmem>>
      %dma_wait3A_239 = arith.constant 0 : i32
      %dma_wait3A_240 = arith.constant 0 : i32
      %dma_wait3A_241 = tpu.memref_slice %arg2[%add3A_233, %dma_wait3A_239, %dma_wait3A_240] : memref<4096x200x64xf32, #tpu.memory_space<hbm>> -> memref<1x200x64xf32, #tpu.memory_space<hbm>>
      %dma_wait3A_242 = tpu.memref_squeeze %dma_wait3A_241 : memref<1x200x64xf32, #tpu.memory_space<hbm>> -> memref<200x64xf32, #tpu.memory_space<hbm>>
      %dma_wait3A_243 = arith.constant 0 : i32
      %dma_wait3A_244 = arith.constant 0 : i32
      %dma_wait3A_245 = tpu.memref_slice %arg8[%dma_wait3A_234, %dma_wait3A_243, %dma_wait3A_244] : memref<4x200x64xf32, #tpu.memory_space<vmem>> -> memref<1x200x64xf32, #tpu.memory_space<vmem>>
      %dma_wait3A_246 = tpu.memref_squeeze %dma_wait3A_245 : memref<1x200x64xf32, #tpu.memory_space<vmem>> -> memref<200x64xf32, #tpu.memory_space<vmem>>
      %dma_wait3A_247 = arith.constant 0 : i32
      %dma_wait3A_248 = arith.constant 0 : i32
      %dma_wait3A_249 = tpu.memref_slice %arg2[%add3A_233, %dma_wait3A_247, %dma_wait3A_248] : memref<4096x200x64xf32, #tpu.memory_space<hbm>> -> memref<1x200x64xf32, #tpu.memory_space<hbm>>
      %dma_wait3A_250 = tpu.memref_squeeze %dma_wait3A_249 : memref<1x200x64xf32, #tpu.memory_space<hbm>> -> memref<200x64xf32, #tpu.memory_space<hbm>>
      tpu.wait_dma2 semaphore(%arg10 : memref<!tpu.dma_semaphore, #tpu.memory_space<semaphore_mem>>) src(%dma_wait3A_250 : memref<200x64xf32, #tpu.memory_space<hbm>>) dst(%dma_wait3A_246 : memref<200x64xf32, #tpu.memory_space<vmem>>)
      %get3A_251 = arith.index_cast %add3A_232 : i32 to index
      %get3A_252 = tpu.vector_load %arg7[%get3A_251] {strides = array<i32>} : memref<144xi32, #tpu.memory_space<vmem>>, vector<16xi32>,
      %get3A_253 = vector.shape_cast %get3A_252 : vector<16xi32> to vector<16xi32>
      %slice3A_254 = vector.extract_strided_slice %get3A_253 {offsets = [0], sizes = [1], strides = [1]} : vector<16xi32> to vector<1xi32>
      %squeeze3A_255 = vector.extract %slice3A_254[0] : i32 from vector<1xi32>
      %while3A_256 = arith.constant 0 : i32
      %while3A_257 = arith.constant 0 : i32
      %while3A_258 = arith.subi %squeeze3A_255, %while3A_257 : i32
      %while3A_259 = arith.addi %while3A_257, %while3A_258 : i32
      %while3A_260 = arith.constant 1 : i32
      %while3A_261 = arith.divsi %while3A_258, %while3A_260 : i32
      %while3A_262 = arith.muli %while3A_261, %while3A_260 : i32
      %while3A_263 = arith.addi %while3A_257, %while3A_262 : i32
      %while3A_264 = arith.constant 1 : i32
      scf.for %while3A_390 = %while3A_257 to %while3A_263 step %while3A_264  : i32 {
        %get3A_391 = arith.index_cast %while3A_390 : i32 to index
        %get3A_392 = arith.constant 0 : index
        %get3A_393 = tpu.vector_load %arg6[%get3A_391, %get3A_392] {strides = array<i32>} : memref<200x64xf32, #tpu.memory_space<vmem>>, vector<1x16xf32>,
        %get3A_394 = vector.shape_cast %get3A_393 : vector<1x16xf32> to vector<16xf32>
        %swap3A = arith.constant 1 : i32
        %swap3A_395 = arith.index_cast %swap3A : i32 to index
        %swap3A_396 = arith.index_cast %while3A_390 : i32 to index
        %swap3A_397 = arith.constant 0 : index
        %swap3A_398 = tpu.vector_load %arg8[%swap3A_395, %swap3A_396, %swap3A_397] {strides = array<i32>} : memref<4x200x64xf32, #tpu.memory_space<vmem>>, vector<1x1x16xf32>,
        %swap3A_399 = vector.shape_cast %swap3A_398 : vector<1x1x16xf32> to vector<16xf32>
        %swap3A_400 = vector.shape_cast %get3A_394 : vector<16xf32> to vector<1x1x16xf32>
        tpu.vector_store %arg8[%swap3A_395, %swap3A_396, %swap3A_397], %swap3A_400 {add = true, strides = array<i32>} : memref<4x200x64xf32, #tpu.memory_space<vmem>>, vector<1x1x16xf32>,
        %get3A_401 = arith.index_cast %while3A_390 : i32 to index
        %get3A_402 = arith.constant 16 : index
        %get3A_403 = tpu.vector_load %arg6[%get3A_401, %get3A_402] {strides = array<i32>} : memref<200x64xf32, #tpu.memory_space<vmem>>, vector<1x16xf32>,
        %get3A_404 = vector.shape_cast %get3A_403 : vector<1x16xf32> to vector<16xf32>
        %swap3A_405 = arith.constant 1 : i32
        %swap3A_406 = arith.index_cast %swap3A_405 : i32 to index
        %swap3A_407 = arith.index_cast %while3A_390 : i32 to index
        %swap3A_408 = arith.constant 16 : index
        %swap3A_409 = tpu.vector_load %arg8[%swap3A_406, %swap3A_407, %swap3A_408] {strides = array<i32>} : memref<4x200x64xf32, #tpu.memory_space<vmem>>, vector<1x1x16xf32>,
        %swap3A_410 = vector.shape_cast %swap3A_409 : vector<1x1x16xf32> to vector<16xf32>
        %swap3A_411 = vector.shape_cast %get3A_404 : vector<16xf32> to vector<1x1x16xf32>
        tpu.vector_store %arg8[%swap3A_406, %swap3A_407, %swap3A_408], %swap3A_411 {add = true, strides = array<i32>} : memref<4x200x64xf32, #tpu.memory_space<vmem>>, vector<1x1x16xf32>,
        %get3A_412 = arith.index_cast %while3A_390 : i32 to index
        %get3A_413 = arith.constant 32 : index
        %get3A_414 = tpu.vector_load %arg6[%get3A_412, %get3A_413] {strides = array<i32>} : memref<200x64xf32, #tpu.memory_space<vmem>>, vector<1x16xf32>,
        %get3A_415 = vector.shape_cast %get3A_414 : vector<1x16xf32> to vector<16xf32>
        %swap3A_416 = arith.constant 1 : i32
        %swap3A_417 = arith.index_cast %swap3A_416 : i32 to index
        %swap3A_418 = arith.index_cast %while3A_390 : i32 to index
        %swap3A_419 = arith.constant 32 : index
        %swap3A_420 = tpu.vector_load %arg8[%swap3A_417, %swap3A_418, %swap3A_419] {strides = array<i32>} : memref<4x200x64xf32, #tpu.memory_space<vmem>>, vector<1x1x16xf32>,
        %swap3A_421 = vector.shape_cast %swap3A_420 : vector<1x1x16xf32> to vector<16xf32>
        %swap3A_422 = vector.shape_cast %get3A_415 : vector<16xf32> to vector<1x1x16xf32>
        tpu.vector_store %arg8[%swap3A_417, %swap3A_418, %swap3A_419], %swap3A_422 {add = true, strides = array<i32>} : memref<4x200x64xf32, #tpu.memory_space<vmem>>, vector<1x1x16xf32>,
        %get3A_423 = arith.index_cast %while3A_390 : i32 to index
        %get3A_424 = arith.constant 48 : index
        %get3A_425 = tpu.vector_load %arg6[%get3A_423, %get3A_424] {strides = array<i32>} : memref<200x64xf32, #tpu.memory_space<vmem>>, vector<1x16xf32>,
        %get3A_426 = vector.shape_cast %get3A_425 : vector<1x16xf32> to vector<16xf32>
        %swap3A_427 = arith.constant 1 : i32
        %swap3A_428 = arith.index_cast %swap3A_427 : i32 to index
        %swap3A_429 = arith.index_cast %while3A_390 : i32 to index
        %swap3A_430 = arith.constant 48 : index
        %swap3A_431 = tpu.vector_load %arg8[%swap3A_428, %swap3A_429, %swap3A_430] {strides = array<i32>} : memref<4x200x64xf32, #tpu.memory_space<vmem>>, vector<1x1x16xf32>,
        %swap3A_432 = vector.shape_cast %swap3A_431 : vector<1x1x16xf32> to vector<16xf32>
        %swap3A_433 = vector.shape_cast %get3A_426 : vector<16xf32> to vector<1x1x16xf32>
        tpu.vector_store %arg8[%swap3A_428, %swap3A_429, %swap3A_430], %swap3A_433 {add = true, strides = array<i32>} : memref<4x200x64xf32, #tpu.memory_space<vmem>>, vector<1x1x16xf32>,
      }
      %while3A_265 = arith.constant 1 : i32
      scf.for %while3A_390 = %while3A_263 to %while3A_259 step %while3A_265  : i32 {
        %get3A_391 = arith.index_cast %while3A_390 : i32 to index
        %get3A_392 = arith.constant 0 : index
        %get3A_393 = tpu.vector_load %arg6[%get3A_391, %get3A_392] {strides = array<i32>} : memref<200x64xf32, #tpu.memory_space<vmem>>, vector<1x16xf32>,
        %get3A_394 = vector.shape_cast %get3A_393 : vector<1x16xf32> to vector<16xf32>
        %swap3A = arith.constant 1 : i32
        %swap3A_395 = arith.index_cast %swap3A : i32 to index
        %swap3A_396 = arith.index_cast %while3A_390 : i32 to index
        %swap3A_397 = arith.constant 0 : index
        %swap3A_398 = tpu.vector_load %arg8[%swap3A_395, %swap3A_396, %swap3A_397] {strides = array<i32>} : memref<4x200x64xf32, #tpu.memory_space<vmem>>, vector<1x1x16xf32>,
        %swap3A_399 = vector.shape_cast %swap3A_398 : vector<1x1x16xf32> to vector<16xf32>
        %swap3A_400 = vector.shape_cast %get3A_394 : vector<16xf32> to vector<1x1x16xf32>
        tpu.vector_store %arg8[%swap3A_395, %swap3A_396, %swap3A_397], %swap3A_400 {add = true, strides = array<i32>} : memref<4x200x64xf32, #tpu.memory_space<vmem>>, vector<1x1x16xf32>,
        %get3A_401 = arith.index_cast %while3A_390 : i32 to index
        %get3A_402 = arith.constant 16 : index
        %get3A_403 = tpu.vector_load %arg6[%get3A_401, %get3A_402] {strides = array<i32>} : memref<200x64xf32, #tpu.memory_space<vmem>>, vector<1x16xf32>,
        %get3A_404 = vector.shape_cast %get3A_403 : vector<1x16xf32> to vector<16xf32>
        %swap3A_405 = arith.constant 1 : i32
        %swap3A_406 = arith.index_cast %swap3A_405 : i32 to index
        %swap3A_407 = arith.index_cast %while3A_390 : i32 to index
        %swap3A_408 = arith.constant 16 : index
        %swap3A_409 = tpu.vector_load %arg8[%swap3A_406, %swap3A_407, %swap3A_408] {strides = array<i32>} : memref<4x200x64xf32, #tpu.memory_space<vmem>>, vector<1x1x16xf32>,
        %swap3A_410 = vector.shape_cast %swap3A_409 : vector<1x1x16xf32> to vector<16xf32>
        %swap3A_411 = vector.shape_cast %get3A_404 : vector<16xf32> to vector<1x1x16xf32>
        tpu.vector_store %arg8[%swap3A_406, %swap3A_407, %swap3A_408], %swap3A_411 {add = true, strides = array<i32>} : memref<4x200x64xf32, #tpu.memory_space<vmem>>, vector<1x1x16xf32>,
        %get3A_412 = arith.index_cast %while3A_390 : i32 to index
        %get3A_413 = arith.constant 32 : index
        %get3A_414 = tpu.vector_load %arg6[%get3A_412, %get3A_413] {strides = array<i32>} : memref<200x64xf32, #tpu.memory_space<vmem>>, vector<1x16xf32>,
        %get3A_415 = vector.shape_cast %get3A_414 : vector<1x16xf32> to vector<16xf32>
        %swap3A_416 = arith.constant 1 : i32
        %swap3A_417 = arith.index_cast %swap3A_416 : i32 to index
        %swap3A_418 = arith.index_cast %while3A_390 : i32 to index
        %swap3A_419 = arith.constant 32 : index
        %swap3A_420 = tpu.vector_load %arg8[%swap3A_417, %swap3A_418, %swap3A_419] {strides = array<i32>} : memref<4x200x64xf32, #tpu.memory_space<vmem>>, vector<1x1x16xf32>,
        %swap3A_421 = vector.shape_cast %swap3A_420 : vector<1x1x16xf32> to vector<16xf32>
        %swap3A_422 = vector.shape_cast %get3A_415 : vector<16xf32> to vector<1x1x16xf32>
        tpu.vector_store %arg8[%swap3A_417, %swap3A_418, %swap3A_419], %swap3A_422 {add = true, strides = array<i32>} : memref<4x200x64xf32, #tpu.memory_space<vmem>>, vector<1x1x16xf32>,
        %get3A_423 = arith.index_cast %while3A_390 : i32 to index
        %get3A_424 = arith.constant 48 : index
        %get3A_425 = tpu.vector_load %arg6[%get3A_423, %get3A_424] {strides = array<i32>} : memref<200x64xf32, #tpu.memory_space<vmem>>, vector<1x16xf32>,
        %get3A_426 = vector.shape_cast %get3A_425 : vector<1x16xf32> to vector<16xf32>
        %swap3A_427 = arith.constant 1 : i32
        %swap3A_428 = arith.index_cast %swap3A_427 : i32 to index
        %swap3A_429 = arith.index_cast %while3A_390 : i32 to index
        %swap3A_430 = arith.constant 48 : index
        %swap3A_431 = tpu.vector_load %arg8[%swap3A_428, %swap3A_429, %swap3A_430] {strides = array<i32>} : memref<4x200x64xf32, #tpu.memory_space<vmem>>, vector<1x1x16xf32>,
        %swap3A_432 = vector.shape_cast %swap3A_431 : vector<1x1x16xf32> to vector<16xf32>
        %swap3A_433 = vector.shape_cast %get3A_426 : vector<16xf32> to vector<1x1x16xf32>
        tpu.vector_store %arg8[%swap3A_428, %swap3A_429, %swap3A_430], %swap3A_433 {add = true, strides = array<i32>} : memref<4x200x64xf32, #tpu.memory_space<vmem>>, vector<1x1x16xf32>,
      }
      %add3A_266 = arith.addi %mul3A_2, %add3A_232 : i32
      %dma_start3A_267 = arith.constant 1 : i32
      %dma_start3A_268 = arith.constant 0 : i32
      %dma_start3A_269 = arith.constant 0 : i32
      %dma_start3A_270 = tpu.memref_slice %arg8[%dma_start3A_267, %dma_start3A_268, %dma_start3A_269] : memref<4x200x64xf32, #tpu.memory_space<vmem>> -> memref<1x200x64xf32, #tpu.memory_space<vmem>>
      %dma_start3A_271 = tpu.memref_squeeze %dma_start3A_270 : memref<1x200x64xf32, #tpu.memory_space<vmem>> -> memref<200x64xf32, #tpu.memory_space<vmem>>
      %dma_start3A_272 = arith.constant 0 : i32
      %dma_start3A_273 = arith.constant 0 : i32
      %dma_start3A_274 = tpu.memref_slice %arg5[%add3A_266, %dma_start3A_272, %dma_start3A_273] : memref<4096x200x64xf32, #tpu.memory_space<hbm>> -> memref<1x200x64xf32, #tpu.memory_space<hbm>>
      %dma_start3A_275 = tpu.memref_squeeze %dma_start3A_274 : memref<1x200x64xf32, #tpu.memory_space<hbm>> -> memref<200x64xf32, #tpu.memory_space<hbm>>
      %dma_start3A_276 = arith.constant 0 : i32
      %dma_start3A_277 = arith.constant 0 : i32
      %dma_start3A_278 = tpu.memref_slice %arg5[%add3A_266, %dma_start3A_276, %dma_start3A_277] : memref<4096x200x64xf32, #tpu.memory_space<hbm>> -> memref<1x200x64xf32, #tpu.memory_space<hbm>>
      %dma_start3A_279 = tpu.memref_squeeze %dma_start3A_278 : memref<1x200x64xf32, #tpu.memory_space<hbm>> -> memref<200x64xf32, #tpu.memory_space<hbm>>
      %dma_start3A_280 = arith.constant 0 : i32
      %dma_start3A_281 = arith.constant 0 : i32
      %dma_start3A_282 = tpu.memref_slice %arg8[%dma_start3A_267, %dma_start3A_280, %dma_start3A_281] : memref<4x200x64xf32, #tpu.memory_space<vmem>> -> memref<1x200x64xf32, #tpu.memory_space<vmem>>
      %dma_start3A_283 = tpu.memref_squeeze %dma_start3A_282 : memref<1x200x64xf32, #tpu.memory_space<vmem>> -> memref<200x64xf32, #tpu.memory_space<vmem>>
      tpu.enqueue_dma source(%dma_start3A_283 : memref<200x64xf32, #tpu.memory_space<vmem>>) target(%dma_start3A_279 : memref<200x64xf32, #tpu.memory_space<hbm>>) target_semaphore(%arg14 : memref<!tpu.dma_semaphore, #tpu.memory_space<semaphore_mem>>)
      %add3A_284 = arith.constant 2 : i32
      %add3A_285 = arith.addi %mul3A_85, %add3A_284 : i32
      %add3A_286 = arith.addi %mul3A_2, %add3A_285 : i32
      %dma_wait3A_287 = arith.constant 2 : i32
      %dma_wait3A_288 = arith.constant 0 : i32
      %dma_wait3A_289 = arith.constant 0 : i32
      %dma_wait3A_290 = tpu.memref_slice %arg8[%dma_wait3A_287, %dma_wait3A_288, %dma_wait3A_289] : memref<4x200x64xf32, #tpu.memory_space<vmem>> -> memref<1x200x64xf32, #tpu.memory_space<vmem>>
      %dma_wait3A_291 = tpu.memref_squeeze %dma_wait3A_290 : memref<1x200x64xf32, #tpu.memory_space<vmem>> -> memref<200x64xf32, #tpu.memory_space<vmem>>
      %dma_wait3A_292 = arith.constant 0 : i32
      %dma_wait3A_293 = arith.constant 0 : i32
      %dma_wait3A_294 = tpu.memref_slice %arg2[%add3A_286, %dma_wait3A_292, %dma_wait3A_293] : memref<4096x200x64xf32, #tpu.memory_space<hbm>> -> memref<1x200x64xf32, #tpu.memory_space<hbm>>
      %dma_wait3A_295 = tpu.memref_squeeze %dma_wait3A_294 : memref<1x200x64xf32, #tpu.memory_space<hbm>> -> memref<200x64xf32, #tpu.memory_space<hbm>>
      %dma_wait3A_296 = arith.constant 0 : i32
      %dma_wait3A_297 = arith.constant 0 : i32
      %dma_wait3A_298 = tpu.memref_slice %arg8[%dma_wait3A_287, %dma_wait3A_296, %dma_wait3A_297] : memref<4x200x64xf32, #tpu.memory_space<vmem>> -> memref<1x200x64xf32, #tpu.memory_space<vmem>>
      %dma_wait3A_299 = tpu.memref_squeeze %dma_wait3A_298 : memref<1x200x64xf32, #tpu.memory_space<vmem>> -> memref<200x64xf32, #tpu.memory_space<vmem>>
      %dma_wait3A_300 = arith.constant 0 : i32
      %dma_wait3A_301 = arith.constant 0 : i32
      %dma_wait3A_302 = tpu.memref_slice %arg2[%add3A_286, %dma_wait3A_300, %dma_wait3A_301] : memref<4096x200x64xf32, #tpu.memory_space<hbm>> -> memref<1x200x64xf32, #tpu.memory_space<hbm>>
      %dma_wait3A_303 = tpu.memref_squeeze %dma_wait3A_302 : memref<1x200x64xf32, #tpu.memory_space<hbm>> -> memref<200x64xf32, #tpu.memory_space<hbm>>
      tpu.wait_dma2 semaphore(%arg11 : memref<!tpu.dma_semaphore, #tpu.memory_space<semaphore_mem>>) src(%dma_wait3A_303 : memref<200x64xf32, #tpu.memory_space<hbm>>) dst(%dma_wait3A_299 : memref<200x64xf32, #tpu.memory_space<vmem>>)
      %get3A_304 = arith.index_cast %add3A_285 : i32 to index
      %get3A_305 = tpu.vector_load %arg7[%get3A_304] {strides = array<i32>} : memref<144xi32, #tpu.memory_space<vmem>>, vector<16xi32>,
      %get3A_306 = vector.shape_cast %get3A_305 : vector<16xi32> to vector<16xi32>
      %slice3A_307 = vector.extract_strided_slice %get3A_306 {offsets = [0], sizes = [1], strides = [1]} : vector<16xi32> to vector<1xi32>
      %squeeze3A_308 = vector.extract %slice3A_307[0] : i32 from vector<1xi32>
      %while3A_309 = arith.constant 0 : i32
      %while3A_310 = arith.constant 0 : i32
      %while3A_311 = arith.subi %squeeze3A_308, %while3A_310 : i32
      %while3A_312 = arith.addi %while3A_310, %while3A_311 : i32
      %while3A_313 = arith.constant 1 : i32
      %while3A_314 = arith.divsi %while3A_311, %while3A_313 : i32
      %while3A_315 = arith.muli %while3A_314, %while3A_313 : i32
      %while3A_316 = arith.addi %while3A_310, %while3A_315 : i32
      %while3A_317 = arith.constant 1 : i32
      scf.for %while3A_390 = %while3A_310 to %while3A_316 step %while3A_317  : i32 {
        %get3A_391 = arith.index_cast %while3A_390 : i32 to index
        %get3A_392 = arith.constant 0 : index
        %get3A_393 = tpu.vector_load %arg6[%get3A_391, %get3A_392] {strides = array<i32>} : memref<200x64xf32, #tpu.memory_space<vmem>>, vector<1x16xf32>,
        %get3A_394 = vector.shape_cast %get3A_393 : vector<1x16xf32> to vector<16xf32>
        %swap3A = arith.constant 2 : i32
        %swap3A_395 = arith.index_cast %swap3A : i32 to index
        %swap3A_396 = arith.index_cast %while3A_390 : i32 to index
        %swap3A_397 = arith.constant 0 : index
        %swap3A_398 = tpu.vector_load %arg8[%swap3A_395, %swap3A_396, %swap3A_397] {strides = array<i32>} : memref<4x200x64xf32, #tpu.memory_space<vmem>>, vector<1x1x16xf32>,
        %swap3A_399 = vector.shape_cast %swap3A_398 : vector<1x1x16xf32> to vector<16xf32>
        %swap3A_400 = vector.shape_cast %get3A_394 : vector<16xf32> to vector<1x1x16xf32>
        tpu.vector_store %arg8[%swap3A_395, %swap3A_396, %swap3A_397], %swap3A_400 {add = true, strides = array<i32>} : memref<4x200x64xf32, #tpu.memory_space<vmem>>, vector<1x1x16xf32>,
        %get3A_401 = arith.index_cast %while3A_390 : i32 to index
        %get3A_402 = arith.constant 16 : index
        %get3A_403 = tpu.vector_load %arg6[%get3A_401, %get3A_402] {strides = array<i32>} : memref<200x64xf32, #tpu.memory_space<vmem>>, vector<1x16xf32>,
        %get3A_404 = vector.shape_cast %get3A_403 : vector<1x16xf32> to vector<16xf32>
        %swap3A_405 = arith.constant 2 : i32
        %swap3A_406 = arith.index_cast %swap3A_405 : i32 to index
        %swap3A_407 = arith.index_cast %while3A_390 : i32 to index
        %swap3A_408 = arith.constant 16 : index
        %swap3A_409 = tpu.vector_load %arg8[%swap3A_406, %swap3A_407, %swap3A_408] {strides = array<i32>} : memref<4x200x64xf32, #tpu.memory_space<vmem>>, vector<1x1x16xf32>,
        %swap3A_410 = vector.shape_cast %swap3A_409 : vector<1x1x16xf32> to vector<16xf32>
        %swap3A_411 = vector.shape_cast %get3A_404 : vector<16xf32> to vector<1x1x16xf32>
        tpu.vector_store %arg8[%swap3A_406, %swap3A_407, %swap3A_408], %swap3A_411 {add = true, strides = array<i32>} : memref<4x200x64xf32, #tpu.memory_space<vmem>>, vector<1x1x16xf32>,
        %get3A_412 = arith.index_cast %while3A_390 : i32 to index
        %get3A_413 = arith.constant 32 : index
        %get3A_414 = tpu.vector_load %arg6[%get3A_412, %get3A_413] {strides = array<i32>} : memref<200x64xf32, #tpu.memory_space<vmem>>, vector<1x16xf32>,
        %get3A_415 = vector.shape_cast %get3A_414 : vector<1x16xf32> to vector<16xf32>
        %swap3A_416 = arith.constant 2 : i32
        %swap3A_417 = arith.index_cast %swap3A_416 : i32 to index
        %swap3A_418 = arith.index_cast %while3A_390 : i32 to index
        %swap3A_419 = arith.constant 32 : index
        %swap3A_420 = tpu.vector_load %arg8[%swap3A_417, %swap3A_418, %swap3A_419] {strides = array<i32>} : memref<4x200x64xf32, #tpu.memory_space<vmem>>, vector<1x1x16xf32>,
        %swap3A_421 = vector.shape_cast %swap3A_420 : vector<1x1x16xf32> to vector<16xf32>
        %swap3A_422 = vector.shape_cast %get3A_415 : vector<16xf32> to vector<1x1x16xf32>
        tpu.vector_store %arg8[%swap3A_417, %swap3A_418, %swap3A_419], %swap3A_422 {add = true, strides = array<i32>} : memref<4x200x64xf32, #tpu.memory_space<vmem>>, vector<1x1x16xf32>,
        %get3A_423 = arith.index_cast %while3A_390 : i32 to index
        %get3A_424 = arith.constant 48 : index
        %get3A_425 = tpu.vector_load %arg6[%get3A_423, %get3A_424] {strides = array<i32>} : memref<200x64xf32, #tpu.memory_space<vmem>>, vector<1x16xf32>,
        %get3A_426 = vector.shape_cast %get3A_425 : vector<1x16xf32> to vector<16xf32>
        %swap3A_427 = arith.constant 2 : i32
        %swap3A_428 = arith.index_cast %swap3A_427 : i32 to index
        %swap3A_429 = arith.index_cast %while3A_390 : i32 to index
        %swap3A_430 = arith.constant 48 : index
        %swap3A_431 = tpu.vector_load %arg8[%swap3A_428, %swap3A_429, %swap3A_430] {strides = array<i32>} : memref<4x200x64xf32, #tpu.memory_space<vmem>>, vector<1x1x16xf32>,
        %swap3A_432 = vector.shape_cast %swap3A_431 : vector<1x1x16xf32> to vector<16xf32>
        %swap3A_433 = vector.shape_cast %get3A_426 : vector<16xf32> to vector<1x1x16xf32>
        tpu.vector_store %arg8[%swap3A_428, %swap3A_429, %swap3A_430], %swap3A_433 {add = true, strides = array<i32>} : memref<4x200x64xf32, #tpu.memory_space<vmem>>, vector<1x1x16xf32>,
      }
      %while3A_318 = arith.constant 1 : i32
      scf.for %while3A_390 = %while3A_316 to %while3A_312 step %while3A_318  : i32 {
        %get3A_391 = arith.index_cast %while3A_390 : i32 to index
        %get3A_392 = arith.constant 0 : index
        %get3A_393 = tpu.vector_load %arg6[%get3A_391, %get3A_392] {strides = array<i32>} : memref<200x64xf32, #tpu.memory_space<vmem>>, vector<1x16xf32>,
        %get3A_394 = vector.shape_cast %get3A_393 : vector<1x16xf32> to vector<16xf32>
        %swap3A = arith.constant 2 : i32
        %swap3A_395 = arith.index_cast %swap3A : i32 to index
        %swap3A_396 = arith.index_cast %while3A_390 : i32 to index
        %swap3A_397 = arith.constant 0 : index
        %swap3A_398 = tpu.vector_load %arg8[%swap3A_395, %swap3A_396, %swap3A_397] {strides = array<i32>} : memref<4x200x64xf32, #tpu.memory_space<vmem>>, vector<1x1x16xf32>,
        %swap3A_399 = vector.shape_cast %swap3A_398 : vector<1x1x16xf32> to vector<16xf32>
        %swap3A_400 = vector.shape_cast %get3A_394 : vector<16xf32> to vector<1x1x16xf32>
        tpu.vector_store %arg8[%swap3A_395, %swap3A_396, %swap3A_397], %swap3A_400 {add = true, strides = array<i32>} : memref<4x200x64xf32, #tpu.memory_space<vmem>>, vector<1x1x16xf32>,
        %get3A_401 = arith.index_cast %while3A_390 : i32 to index
        %get3A_402 = arith.constant 16 : index
        %get3A_403 = tpu.vector_load %arg6[%get3A_401, %get3A_402] {strides = array<i32>} : memref<200x64xf32, #tpu.memory_space<vmem>>, vector<1x16xf32>,
        %get3A_404 = vector.shape_cast %get3A_403 : vector<1x16xf32> to vector<16xf32>
        %swap3A_405 = arith.constant 2 : i32
        %swap3A_406 = arith.index_cast %swap3A_405 : i32 to index
        %swap3A_407 = arith.index_cast %while3A_390 : i32 to index
        %swap3A_408 = arith.constant 16 : index
        %swap3A_409 = tpu.vector_load %arg8[%swap3A_406, %swap3A_407, %swap3A_408] {strides = array<i32>} : memref<4x200x64xf32, #tpu.memory_space<vmem>>, vector<1x1x16xf32>,
        %swap3A_410 = vector.shape_cast %swap3A_409 : vector<1x1x16xf32> to vector<16xf32>
        %swap3A_411 = vector.shape_cast %get3A_404 : vector<16xf32> to vector<1x1x16xf32>
        tpu.vector_store %arg8[%swap3A_406, %swap3A_407, %swap3A_408], %swap3A_411 {add = true, strides = array<i32>} : memref<4x200x64xf32, #tpu.memory_space<vmem>>, vector<1x1x16xf32>,
        %get3A_412 = arith.index_cast %while3A_390 : i32 to index
        %get3A_413 = arith.constant 32 : index
        %get3A_414 = tpu.vector_load %arg6[%get3A_412, %get3A_413] {strides = array<i32>} : memref<200x64xf32, #tpu.memory_space<vmem>>, vector<1x16xf32>,
        %get3A_415 = vector.shape_cast %get3A_414 : vector<1x16xf32> to vector<16xf32>
        %swap3A_416 = arith.constant 2 : i32
        %swap3A_417 = arith.index_cast %swap3A_416 : i32 to index
        %swap3A_418 = arith.index_cast %while3A_390 : i32 to index
        %swap3A_419 = arith.constant 32 : index
        %swap3A_420 = tpu.vector_load %arg8[%swap3A_417, %swap3A_418, %swap3A_419] {strides = array<i32>} : memref<4x200x64xf32, #tpu.memory_space<vmem>>, vector<1x1x16xf32>,
        %swap3A_421 = vector.shape_cast %swap3A_420 : vector<1x1x16xf32> to vector<16xf32>
        %swap3A_422 = vector.shape_cast %get3A_415 : vector<16xf32> to vector<1x1x16xf32>
        tpu.vector_store %arg8[%swap3A_417, %swap3A_418, %swap3A_419], %swap3A_422 {add = true, strides = array<i32>} : memref<4x200x64xf32, #tpu.memory_space<vmem>>, vector<1x1x16xf32>,
        %get3A_423 = arith.index_cast %while3A_390 : i32 to index
        %get3A_424 = arith.constant 48 : index
        %get3A_425 = tpu.vector_load %arg6[%get3A_423, %get3A_424] {strides = array<i32>} : memref<200x64xf32, #tpu.memory_space<vmem>>, vector<1x16xf32>,
        %get3A_426 = vector.shape_cast %get3A_425 : vector<1x16xf32> to vector<16xf32>
        %swap3A_427 = arith.constant 2 : i32
        %swap3A_428 = arith.index_cast %swap3A_427 : i32 to index
        %swap3A_429 = arith.index_cast %while3A_390 : i32 to index
        %swap3A_430 = arith.constant 48 : index
        %swap3A_431 = tpu.vector_load %arg8[%swap3A_428, %swap3A_429, %swap3A_430] {strides = array<i32>} : memref<4x200x64xf32, #tpu.memory_space<vmem>>, vector<1x1x16xf32>,
        %swap3A_432 = vector.shape_cast %swap3A_431 : vector<1x1x16xf32> to vector<16xf32>
        %swap3A_433 = vector.shape_cast %get3A_426 : vector<16xf32> to vector<1x1x16xf32>
        tpu.vector_store %arg8[%swap3A_428, %swap3A_429, %swap3A_430], %swap3A_433 {add = true, strides = array<i32>} : memref<4x200x64xf32, #tpu.memory_space<vmem>>, vector<1x1x16xf32>,
      }
      %add3A_319 = arith.addi %mul3A_2, %add3A_285 : i32
      %dma_start3A_320 = arith.constant 2 : i32
      %dma_start3A_321 = arith.constant 0 : i32
      %dma_start3A_322 = arith.constant 0 : i32
      %dma_start3A_323 = tpu.memref_slice %arg8[%dma_start3A_320, %dma_start3A_321, %dma_start3A_322] : memref<4x200x64xf32, #tpu.memory_space<vmem>> -> memref<1x200x64xf32, #tpu.memory_space<vmem>>
      %dma_start3A_324 = tpu.memref_squeeze %dma_start3A_323 : memref<1x200x64xf32, #tpu.memory_space<vmem>> -> memref<200x64xf32, #tpu.memory_space<vmem>>
      %dma_start3A_325 = arith.constant 0 : i32
      %dma_start3A_326 = arith.constant 0 : i32
      %dma_start3A_327 = tpu.memref_slice %arg5[%add3A_319, %dma_start3A_325, %dma_start3A_326] : memref<4096x200x64xf32, #tpu.memory_space<hbm>> -> memref<1x200x64xf32, #tpu.memory_space<hbm>>
      %dma_start3A_328 = tpu.memref_squeeze %dma_start3A_327 : memref<1x200x64xf32, #tpu.memory_space<hbm>> -> memref<200x64xf32, #tpu.memory_space<hbm>>
      %dma_start3A_329 = arith.constant 0 : i32
      %dma_start3A_330 = arith.constant 0 : i32
      %dma_start3A_331 = tpu.memref_slice %arg5[%add3A_319, %dma_start3A_329, %dma_start3A_330] : memref<4096x200x64xf32, #tpu.memory_space<hbm>> -> memref<1x200x64xf32, #tpu.memory_space<hbm>>
      %dma_start3A_332 = tpu.memref_squeeze %dma_start3A_331 : memref<1x200x64xf32, #tpu.memory_space<hbm>> -> memref<200x64xf32, #tpu.memory_space<hbm>>
      %dma_start3A_333 = arith.constant 0 : i32
      %dma_start3A_334 = arith.constant 0 : i32
      %dma_start3A_335 = tpu.memref_slice %arg8[%dma_start3A_320, %dma_start3A_333, %dma_start3A_334] : memref<4x200x64xf32, #tpu.memory_space<vmem>> -> memref<1x200x64xf32, #tpu.memory_space<vmem>>
      %dma_start3A_336 = tpu.memref_squeeze %dma_start3A_335 : memref<1x200x64xf32, #tpu.memory_space<vmem>> -> memref<200x64xf32, #tpu.memory_space<vmem>>
      tpu.enqueue_dma source(%dma_start3A_336 : memref<200x64xf32, #tpu.memory_space<vmem>>) target(%dma_start3A_332 : memref<200x64xf32, #tpu.memory_space<hbm>>) target_semaphore(%arg15 : memref<!tpu.dma_semaphore, #tpu.memory_space<semaphore_mem>>)
      %add3A_337 = arith.constant 3 : i32
      %add3A_338 = arith.addi %mul3A_85, %add3A_337 : i32
      %add3A_339 = arith.addi %mul3A_2, %add3A_338 : i32
      %dma_wait3A_340 = arith.constant 3 : i32
      %dma_wait3A_341 = arith.constant 0 : i32
      %dma_wait3A_342 = arith.constant 0 : i32
      %dma_wait3A_343 = tpu.memref_slice %arg8[%dma_wait3A_340, %dma_wait3A_341, %dma_wait3A_342] : memref<4x200x64xf32, #tpu.memory_space<vmem>> -> memref<1x200x64xf32, #tpu.memory_space<vmem>>
      %dma_wait3A_344 = tpu.memref_squeeze %dma_wait3A_343 : memref<1x200x64xf32, #tpu.memory_space<vmem>> -> memref<200x64xf32, #tpu.memory_space<vmem>>
      %dma_wait3A_345 = arith.constant 0 : i32
      %dma_wait3A_346 = arith.constant 0 : i32
      %dma_wait3A_347 = tpu.memref_slice %arg2[%add3A_339, %dma_wait3A_345, %dma_wait3A_346] : memref<4096x200x64xf32, #tpu.memory_space<hbm>> -> memref<1x200x64xf32, #tpu.memory_space<hbm>>
      %dma_wait3A_348 = tpu.memref_squeeze %dma_wait3A_347 : memref<1x200x64xf32, #tpu.memory_space<hbm>> -> memref<200x64xf32, #tpu.memory_space<hbm>>
      %dma_wait3A_349 = arith.constant 0 : i32
      %dma_wait3A_350 = arith.constant 0 : i32
      %dma_wait3A_351 = tpu.memref_slice %arg8[%dma_wait3A_340, %dma_wait3A_349, %dma_wait3A_350] : memref<4x200x64xf32, #tpu.memory_space<vmem>> -> memref<1x200x64xf32, #tpu.memory_space<vmem>>
      %dma_wait3A_352 = tpu.memref_squeeze %dma_wait3A_351 : memref<1x200x64xf32, #tpu.memory_space<vmem>> -> memref<200x64xf32, #tpu.memory_space<vmem>>
      %dma_wait3A_353 = arith.constant 0 : i32
      %dma_wait3A_354 = arith.constant 0 : i32
      %dma_wait3A_355 = tpu.memref_slice %arg2[%add3A_339, %dma_wait3A_353, %dma_wait3A_354] : memref<4096x200x64xf32, #tpu.memory_space<hbm>> -> memref<1x200x64xf32, #tpu.memory_space<hbm>>
      %dma_wait3A_356 = tpu.memref_squeeze %dma_wait3A_355 : memref<1x200x64xf32, #tpu.memory_space<hbm>> -> memref<200x64xf32, #tpu.memory_space<hbm>>
      tpu.wait_dma2 semaphore(%arg12 : memref<!tpu.dma_semaphore, #tpu.memory_space<semaphore_mem>>) src(%dma_wait3A_356 : memref<200x64xf32, #tpu.memory_space<hbm>>) dst(%dma_wait3A_352 : memref<200x64xf32, #tpu.memory_space<vmem>>)
      %get3A_357 = arith.index_cast %add3A_338 : i32 to index
      %get3A_358 = tpu.vector_load %arg7[%get3A_357] {strides = array<i32>} : memref<144xi32, #tpu.memory_space<vmem>>, vector<16xi32>,
      %get3A_359 = vector.shape_cast %get3A_358 : vector<16xi32> to vector<16xi32>
      %slice3A_360 = vector.extract_strided_slice %get3A_359 {offsets = [0], sizes = [1], strides = [1]} : vector<16xi32> to vector<1xi32>
      %squeeze3A_361 = vector.extract %slice3A_360[0] : i32 from vector<1xi32>
      %while3A_362 = arith.constant 0 : i32
      %while3A_363 = arith.constant 0 : i32
      %while3A_364 = arith.subi %squeeze3A_361, %while3A_363 : i32
      %while3A_365 = arith.addi %while3A_363, %while3A_364 : i32
      %while3A_366 = arith.constant 1 : i32
      %while3A_367 = arith.divsi %while3A_364, %while3A_366 : i32
      %while3A_368 = arith.muli %while3A_367, %while3A_366 : i32
      %while3A_369 = arith.addi %while3A_363, %while3A_368 : i32
      %while3A_370 = arith.constant 1 : i32
      scf.for %while3A_390 = %while3A_363 to %while3A_369 step %while3A_370  : i32 {
        %get3A_391 = arith.index_cast %while3A_390 : i32 to index
        %get3A_392 = arith.constant 0 : index
        %get3A_393 = tpu.vector_load %arg6[%get3A_391, %get3A_392] {strides = array<i32>} : memref<200x64xf32, #tpu.memory_space<vmem>>, vector<1x16xf32>,
        %get3A_394 = vector.shape_cast %get3A_393 : vector<1x16xf32> to vector<16xf32>
        %swap3A = arith.constant 3 : i32
        %swap3A_395 = arith.index_cast %swap3A : i32 to index
        %swap3A_396 = arith.index_cast %while3A_390 : i32 to index
        %swap3A_397 = arith.constant 0 : index
        %swap3A_398 = tpu.vector_load %arg8[%swap3A_395, %swap3A_396, %swap3A_397] {strides = array<i32>} : memref<4x200x64xf32, #tpu.memory_space<vmem>>, vector<1x1x16xf32>,
        %swap3A_399 = vector.shape_cast %swap3A_398 : vector<1x1x16xf32> to vector<16xf32>
        %swap3A_400 = vector.shape_cast %get3A_394 : vector<16xf32> to vector<1x1x16xf32>
        tpu.vector_store %arg8[%swap3A_395, %swap3A_396, %swap3A_397], %swap3A_400 {add = true, strides = array<i32>} : memref<4x200x64xf32, #tpu.memory_space<vmem>>, vector<1x1x16xf32>,
        %get3A_401 = arith.index_cast %while3A_390 : i32 to index
        %get3A_402 = arith.constant 16 : index
        %get3A_403 = tpu.vector_load %arg6[%get3A_401, %get3A_402] {strides = array<i32>} : memref<200x64xf32, #tpu.memory_space<vmem>>, vector<1x16xf32>,
        %get3A_404 = vector.shape_cast %get3A_403 : vector<1x16xf32> to vector<16xf32>
        %swap3A_405 = arith.constant 3 : i32
        %swap3A_406 = arith.index_cast %swap3A_405 : i32 to index
        %swap3A_407 = arith.index_cast %while3A_390 : i32 to index
        %swap3A_408 = arith.constant 16 : index
        %swap3A_409 = tpu.vector_load %arg8[%swap3A_406, %swap3A_407, %swap3A_408] {strides = array<i32>} : memref<4x200x64xf32, #tpu.memory_space<vmem>>, vector<1x1x16xf32>,
        %swap3A_410 = vector.shape_cast %swap3A_409 : vector<1x1x16xf32> to vector<16xf32>
        %swap3A_411 = vector.shape_cast %get3A_404 : vector<16xf32> to vector<1x1x16xf32>
        tpu.vector_store %arg8[%swap3A_406, %swap3A_407, %swap3A_408], %swap3A_411 {add = true, strides = array<i32>} : memref<4x200x64xf32, #tpu.memory_space<vmem>>, vector<1x1x16xf32>,
        %get3A_412 = arith.index_cast %while3A_390 : i32 to index
        %get3A_413 = arith.constant 32 : index
        %get3A_414 = tpu.vector_load %arg6[%get3A_412, %get3A_413] {strides = array<i32>} : memref<200x64xf32, #tpu.memory_space<vmem>>, vector<1x16xf32>,
        %get3A_415 = vector.shape_cast %get3A_414 : vector<1x16xf32> to vector<16xf32>
        %swap3A_416 = arith.constant 3 : i32
        %swap3A_417 = arith.index_cast %swap3A_416 : i32 to index
        %swap3A_418 = arith.index_cast %while3A_390 : i32 to index
        %swap3A_419 = arith.constant 32 : index
        %swap3A_420 = tpu.vector_load %arg8[%swap3A_417, %swap3A_418, %swap3A_419] {strides = array<i32>} : memref<4x200x64xf32, #tpu.memory_space<vmem>>, vector<1x1x16xf32>,
        %swap3A_421 = vector.shape_cast %swap3A_420 : vector<1x1x16xf32> to vector<16xf32>
        %swap3A_422 = vector.shape_cast %get3A_415 : vector<16xf32> to vector<1x1x16xf32>
        tpu.vector_store %arg8[%swap3A_417, %swap3A_418, %swap3A_419], %swap3A_422 {add = true, strides = array<i32>} : memref<4x200x64xf32, #tpu.memory_space<vmem>>, vector<1x1x16xf32>,
        %get3A_423 = arith.index_cast %while3A_390 : i32 to index
        %get3A_424 = arith.constant 48 : index
        %get3A_425 = tpu.vector_load %arg6[%get3A_423, %get3A_424] {strides = array<i32>} : memref<200x64xf32, #tpu.memory_space<vmem>>, vector<1x16xf32>,
        %get3A_426 = vector.shape_cast %get3A_425 : vector<1x16xf32> to vector<16xf32>
        %swap3A_427 = arith.constant 3 : i32
        %swap3A_428 = arith.index_cast %swap3A_427 : i32 to index
        %swap3A_429 = arith.index_cast %while3A_390 : i32 to index
        %swap3A_430 = arith.constant 48 : index
        %swap3A_431 = tpu.vector_load %arg8[%swap3A_428, %swap3A_429, %swap3A_430] {strides = array<i32>} : memref<4x200x64xf32, #tpu.memory_space<vmem>>, vector<1x1x16xf32>,
        %swap3A_432 = vector.shape_cast %swap3A_431 : vector<1x1x16xf32> to vector<16xf32>
        %swap3A_433 = vector.shape_cast %get3A_426 : vector<16xf32> to vector<1x1x16xf32>
        tpu.vector_store %arg8[%swap3A_428, %swap3A_429, %swap3A_430], %swap3A_433 {add = true, strides = array<i32>} : memref<4x200x64xf32, #tpu.memory_space<vmem>>, vector<1x1x16xf32>,
      }
      %while3A_371 = arith.constant 1 : i32
      scf.for %while3A_390 = %while3A_369 to %while3A_365 step %while3A_371  : i32 {
        %get3A_391 = arith.index_cast %while3A_390 : i32 to index
        %get3A_392 = arith.constant 0 : index
        %get3A_393 = tpu.vector_load %arg6[%get3A_391, %get3A_392] {strides = array<i32>} : memref<200x64xf32, #tpu.memory_space<vmem>>, vector<1x16xf32>,
        %get3A_394 = vector.shape_cast %get3A_393 : vector<1x16xf32> to vector<16xf32>
        %swap3A = arith.constant 3 : i32
        %swap3A_395 = arith.index_cast %swap3A : i32 to index
        %swap3A_396 = arith.index_cast %while3A_390 : i32 to index
        %swap3A_397 = arith.constant 0 : index
        %swap3A_398 = tpu.vector_load %arg8[%swap3A_395, %swap3A_396, %swap3A_397] {strides = array<i32>} : memref<4x200x64xf32, #tpu.memory_space<vmem>>, vector<1x1x16xf32>,
        %swap3A_399 = vector.shape_cast %swap3A_398 : vector<1x1x16xf32> to vector<16xf32>
        %swap3A_400 = vector.shape_cast %get3A_394 : vector<16xf32> to vector<1x1x16xf32>
        tpu.vector_store %arg8[%swap3A_395, %swap3A_396, %swap3A_397], %swap3A_400 {add = true, strides = array<i32>} : memref<4x200x64xf32, #tpu.memory_space<vmem>>, vector<1x1x16xf32>,
        %get3A_401 = arith.index_cast %while3A_390 : i32 to index
        %get3A_402 = arith.constant 16 : index
        %get3A_403 = tpu.vector_load %arg6[%get3A_401, %get3A_402] {strides = array<i32>} : memref<200x64xf32, #tpu.memory_space<vmem>>, vector<1x16xf32>,
        %get3A_404 = vector.shape_cast %get3A_403 : vector<1x16xf32> to vector<16xf32>
        %swap3A_405 = arith.constant 3 : i32
        %swap3A_406 = arith.index_cast %swap3A_405 : i32 to index
        %swap3A_407 = arith.index_cast %while3A_390 : i32 to index
        %swap3A_408 = arith.constant 16 : index
        %swap3A_409 = tpu.vector_load %arg8[%swap3A_406, %swap3A_407, %swap3A_408] {strides = array<i32>} : memref<4x200x64xf32, #tpu.memory_space<vmem>>, vector<1x1x16xf32>,
        %swap3A_410 = vector.shape_cast %swap3A_409 : vector<1x1x16xf32> to vector<16xf32>
        %swap3A_411 = vector.shape_cast %get3A_404 : vector<16xf32> to vector<1x1x16xf32>
        tpu.vector_store %arg8[%swap3A_406, %swap3A_407, %swap3A_408], %swap3A_411 {add = true, strides = array<i32>} : memref<4x200x64xf32, #tpu.memory_space<vmem>>, vector<1x1x16xf32>,
        %get3A_412 = arith.index_cast %while3A_390 : i32 to index
        %get3A_413 = arith.constant 32 : index
        %get3A_414 = tpu.vector_load %arg6[%get3A_412, %get3A_413] {strides = array<i32>} : memref<200x64xf32, #tpu.memory_space<vmem>>, vector<1x16xf32>,
        %get3A_415 = vector.shape_cast %get3A_414 : vector<1x16xf32> to vector<16xf32>
        %swap3A_416 = arith.constant 3 : i32
        %swap3A_417 = arith.index_cast %swap3A_416 : i32 to index
        %swap3A_418 = arith.index_cast %while3A_390 : i32 to index
        %swap3A_419 = arith.constant 32 : index
        %swap3A_420 = tpu.vector_load %arg8[%swap3A_417, %swap3A_418, %swap3A_419] {strides = array<i32>} : memref<4x200x64xf32, #tpu.memory_space<vmem>>, vector<1x1x16xf32>,
        %swap3A_421 = vector.shape_cast %swap3A_420 : vector<1x1x16xf32> to vector<16xf32>
        %swap3A_422 = vector.shape_cast %get3A_415 : vector<16xf32> to vector<1x1x16xf32>
        tpu.vector_store %arg8[%swap3A_417, %swap3A_418, %swap3A_419], %swap3A_422 {add = true, strides = array<i32>} : memref<4x200x64xf32, #tpu.memory_space<vmem>>, vector<1x1x16xf32>,
        %get3A_423 = arith.index_cast %while3A_390 : i32 to index
        %get3A_424 = arith.constant 48 : index
        %get3A_425 = tpu.vector_load %arg6[%get3A_423, %get3A_424] {strides = array<i32>} : memref<200x64xf32, #tpu.memory_space<vmem>>, vector<1x16xf32>,
        %get3A_426 = vector.shape_cast %get3A_425 : vector<1x16xf32> to vector<16xf32>
        %swap3A_427 = arith.constant 3 : i32
        %swap3A_428 = arith.index_cast %swap3A_427 : i32 to index
        %swap3A_429 = arith.index_cast %while3A_390 : i32 to index
        %swap3A_430 = arith.constant 48 : index
        %swap3A_431 = tpu.vector_load %arg8[%swap3A_428, %swap3A_429, %swap3A_430] {strides = array<i32>} : memref<4x200x64xf32, #tpu.memory_space<vmem>>, vector<1x1x16xf32>,
        %swap3A_432 = vector.shape_cast %swap3A_431 : vector<1x1x16xf32> to vector<16xf32>
        %swap3A_433 = vector.shape_cast %get3A_426 : vector<16xf32> to vector<1x1x16xf32>
        tpu.vector_store %arg8[%swap3A_428, %swap3A_429, %swap3A_430], %swap3A_433 {add = true, strides = array<i32>} : memref<4x200x64xf32, #tpu.memory_space<vmem>>, vector<1x1x16xf32>,
      }
      %add3A_372 = arith.addi %mul3A_2, %add3A_338 : i32
      %dma_start3A_373 = arith.constant 3 : i32
      %dma_start3A_374 = arith.constant 0 : i32
      %dma_start3A_375 = arith.constant 0 : i32
      %dma_start3A_376 = tpu.memref_slice %arg8[%dma_start3A_373, %dma_start3A_374, %dma_start3A_375] : memref<4x200x64xf32, #tpu.memory_space<vmem>> -> memref<1x200x64xf32, #tpu.memory_space<vmem>>
      %dma_start3A_377 = tpu.memref_squeeze %dma_start3A_376 : memref<1x200x64xf32, #tpu.memory_space<vmem>> -> memref<200x64xf32, #tpu.memory_space<vmem>>
      %dma_start3A_378 = arith.constant 0 : i32
      %dma_start3A_379 = arith.constant 0 : i32
      %dma_start3A_380 = tpu.memref_slice %arg5[%add3A_372, %dma_start3A_378, %dma_start3A_379] : memref<4096x200x64xf32, #tpu.memory_space<hbm>> -> memref<1x200x64xf32, #tpu.memory_space<hbm>>
      %dma_start3A_381 = tpu.memref_squeeze %dma_start3A_380 : memref<1x200x64xf32, #tpu.memory_space<hbm>> -> memref<200x64xf32, #tpu.memory_space<hbm>>
      %dma_start3A_382 = arith.constant 0 : i32
      %dma_start3A_383 = arith.constant 0 : i32
      %dma_start3A_384 = tpu.memref_slice %arg5[%add3A_372, %dma_start3A_382, %dma_start3A_383] : memref<4096x200x64xf32, #tpu.memory_space<hbm>> -> memref<1x200x64xf32, #tpu.memory_space<hbm>>
      %dma_start3A_385 = tpu.memref_squeeze %dma_start3A_384 : memref<1x200x64xf32, #tpu.memory_space<hbm>> -> memref<200x64xf32, #tpu.memory_space<hbm>>
      %dma_start3A_386 = arith.constant 0 : i32
      %dma_start3A_387 = arith.constant 0 : i32
      %dma_start3A_388 = tpu.memref_slice %arg8[%dma_start3A_373, %dma_start3A_386, %dma_start3A_387] : memref<4x200x64xf32, #tpu.memory_space<vmem>> -> memref<1x200x64xf32, #tpu.memory_space<vmem>>
      %dma_start3A_389 = tpu.memref_squeeze %dma_start3A_388 : memref<1x200x64xf32, #tpu.memory_space<vmem>> -> memref<200x64xf32, #tpu.memory_space<vmem>>
      tpu.enqueue_dma source(%dma_start3A_389 : memref<200x64xf32, #tpu.memory_space<vmem>>) target(%dma_start3A_385 : memref<200x64xf32, #tpu.memory_space<hbm>>) target_semaphore(%arg16 : memref<!tpu.dma_semaphore, #tpu.memory_space<semaphore_mem>>)
    }
    %scan3A_7 = arith.constant 32 : i32
    %add3A_8 = arith.constant 124 : i32
    %add3A_9 = arith.addi %mul3A_2, %add3A_8 : i32
    %dma_wait3A = arith.constant 0 : i32
    %dma_wait3A_10 = arith.constant 0 : i32
    %dma_wait3A_11 = arith.constant 0 : i32
    %dma_wait3A_12 = tpu.memref_slice %arg8[%dma_wait3A, %dma_wait3A_10, %dma_wait3A_11] : memref<4x200x64xf32, #tpu.memory_space<vmem>> -> memref<1x200x64xf32, #tpu.memory_space<vmem>>
    %dma_wait3A_13 = tpu.memref_squeeze %dma_wait3A_12 : memref<1x200x64xf32, #tpu.memory_space<vmem>> -> memref<200x64xf32, #tpu.memory_space<vmem>>
    %dma_wait3A_14 = arith.constant 0 : i32
    %dma_wait3A_15 = arith.constant 0 : i32
    %dma_wait3A_16 = tpu.memref_slice %arg5[%add3A_9, %dma_wait3A_14, %dma_wait3A_15] : memref<4096x200x64xf32, #tpu.memory_space<hbm>> -> memref<1x200x64xf32, #tpu.memory_space<hbm>>
    %dma_wait3A_17 = tpu.memref_squeeze %dma_wait3A_16 : memref<1x200x64xf32, #tpu.memory_space<hbm>> -> memref<200x64xf32, #tpu.memory_space<hbm>>
    %dma_wait3A_18 = arith.constant 0 : i32
    %dma_wait3A_19 = arith.constant 0 : i32
    %dma_wait3A_20 = tpu.memref_slice %arg5[%add3A_9, %dma_wait3A_18, %dma_wait3A_19] : memref<4096x200x64xf32, #tpu.memory_space<hbm>> -> memref<1x200x64xf32, #tpu.memory_space<hbm>>
    %dma_wait3A_21 = tpu.memref_squeeze %dma_wait3A_20 : memref<1x200x64xf32, #tpu.memory_space<hbm>> -> memref<200x64xf32, #tpu.memory_space<hbm>>
    %dma_wait3A_22 = arith.constant 0 : i32
    %dma_wait3A_23 = arith.constant 0 : i32
    %dma_wait3A_24 = tpu.memref_slice %arg8[%dma_wait3A, %dma_wait3A_22, %dma_wait3A_23] : memref<4x200x64xf32, #tpu.memory_space<vmem>> -> memref<1x200x64xf32, #tpu.memory_space<vmem>>
    %dma_wait3A_25 = tpu.memref_squeeze %dma_wait3A_24 : memref<1x200x64xf32, #tpu.memory_space<vmem>> -> memref<200x64xf32, #tpu.memory_space<vmem>>
    tpu.wait_dma2 semaphore(%arg13 : memref<!tpu.dma_semaphore, #tpu.memory_space<semaphore_mem>>) src(%dma_wait3A_25 : memref<200x64xf32, #tpu.memory_space<vmem>>) dst(%dma_wait3A_21 : memref<200x64xf32, #tpu.memory_space<hbm>>)
    %add3A_26 = arith.constant 125 : i32
    %add3A_27 = arith.addi %mul3A_2, %add3A_26 : i32
    %dma_wait3A_28 = arith.constant 1 : i32
    %dma_wait3A_29 = arith.constant 0 : i32
    %dma_wait3A_30 = arith.constant 0 : i32
    %dma_wait3A_31 = tpu.memref_slice %arg8[%dma_wait3A_28, %dma_wait3A_29, %dma_wait3A_30] : memref<4x200x64xf32, #tpu.memory_space<vmem>> -> memref<1x200x64xf32, #tpu.memory_space<vmem>>
    %dma_wait3A_32 = tpu.memref_squeeze %dma_wait3A_31 : memref<1x200x64xf32, #tpu.memory_space<vmem>> -> memref<200x64xf32, #tpu.memory_space<vmem>>
    %dma_wait3A_33 = arith.constant 0 : i32
    %dma_wait3A_34 = arith.constant 0 : i32
    %dma_wait3A_35 = tpu.memref_slice %arg5[%add3A_27, %dma_wait3A_33, %dma_wait3A_34] : memref<4096x200x64xf32, #tpu.memory_space<hbm>> -> memref<1x200x64xf32, #tpu.memory_space<hbm>>
    %dma_wait3A_36 = tpu.memref_squeeze %dma_wait3A_35 : memref<1x200x64xf32, #tpu.memory_space<hbm>> -> memref<200x64xf32, #tpu.memory_space<hbm>>
    %dma_wait3A_37 = arith.constant 0 : i32
    %dma_wait3A_38 = arith.constant 0 : i32
    %dma_wait3A_39 = tpu.memref_slice %arg5[%add3A_27, %dma_wait3A_37, %dma_wait3A_38] : memref<4096x200x64xf32, #tpu.memory_space<hbm>> -> memref<1x200x64xf32, #tpu.memory_space<hbm>>
    %dma_wait3A_40 = tpu.memref_squeeze %dma_wait3A_39 : memref<1x200x64xf32, #tpu.memory_space<hbm>> -> memref<200x64xf32, #tpu.memory_space<hbm>>
    %dma_wait3A_41 = arith.constant 0 : i32
    %dma_wait3A_42 = arith.constant 0 : i32
    %dma_wait3A_43 = tpu.memref_slice %arg8[%dma_wait3A_28, %dma_wait3A_41, %dma_wait3A_42] : memref<4x200x64xf32, #tpu.memory_space<vmem>> -> memref<1x200x64xf32, #tpu.memory_space<vmem>>
    %dma_wait3A_44 = tpu.memref_squeeze %dma_wait3A_43 : memref<1x200x64xf32, #tpu.memory_space<vmem>> -> memref<200x64xf32, #tpu.memory_space<vmem>>
    tpu.wait_dma2 semaphore(%arg14 : memref<!tpu.dma_semaphore, #tpu.memory_space<semaphore_mem>>) src(%dma_wait3A_44 : memref<200x64xf32, #tpu.memory_space<vmem>>) dst(%dma_wait3A_40 : memref<200x64xf32, #tpu.memory_space<hbm>>)
    %add3A_45 = arith.constant 126 : i32
    %add3A_46 = arith.addi %mul3A_2, %add3A_45 : i32
    %dma_wait3A_47 = arith.constant 2 : i32
    %dma_wait3A_48 = arith.constant 0 : i32
    %dma_wait3A_49 = arith.constant 0 : i32
    %dma_wait3A_50 = tpu.memref_slice %arg8[%dma_wait3A_47, %dma_wait3A_48, %dma_wait3A_49] : memref<4x200x64xf32, #tpu.memory_space<vmem>> -> memref<1x200x64xf32, #tpu.memory_space<vmem>>
    %dma_wait3A_51 = tpu.memref_squeeze %dma_wait3A_50 : memref<1x200x64xf32, #tpu.memory_space<vmem>> -> memref<200x64xf32, #tpu.memory_space<vmem>>
    %dma_wait3A_52 = arith.constant 0 : i32
    %dma_wait3A_53 = arith.constant 0 : i32
    %dma_wait3A_54 = tpu.memref_slice %arg5[%add3A_46, %dma_wait3A_52, %dma_wait3A_53] : memref<4096x200x64xf32, #tpu.memory_space<hbm>> -> memref<1x200x64xf32, #tpu.memory_space<hbm>>
    %dma_wait3A_55 = tpu.memref_squeeze %dma_wait3A_54 : memref<1x200x64xf32, #tpu.memory_space<hbm>> -> memref<200x64xf32, #tpu.memory_space<hbm>>
    %dma_wait3A_56 = arith.constant 0 : i32
    %dma_wait3A_57 = arith.constant 0 : i32
    %dma_wait3A_58 = tpu.memref_slice %arg5[%add3A_46, %dma_wait3A_56, %dma_wait3A_57] : memref<4096x200x64xf32, #tpu.memory_space<hbm>> -> memref<1x200x64xf32, #tpu.memory_space<hbm>>
    %dma_wait3A_59 = tpu.memref_squeeze %dma_wait3A_58 : memref<1x200x64xf32, #tpu.memory_space<hbm>> -> memref<200x64xf32, #tpu.memory_space<hbm>>
    %dma_wait3A_60 = arith.constant 0 : i32
    %dma_wait3A_61 = arith.constant 0 : i32
    %dma_wait3A_62 = tpu.memref_slice %arg8[%dma_wait3A_47, %dma_wait3A_60, %dma_wait3A_61] : memref<4x200x64xf32, #tpu.memory_space<vmem>> -> memref<1x200x64xf32, #tpu.memory_space<vmem>>
    %dma_wait3A_63 = tpu.memref_squeeze %dma_wait3A_62 : memref<1x200x64xf32, #tpu.memory_space<vmem>> -> memref<200x64xf32, #tpu.memory_space<vmem>>
    tpu.wait_dma2 semaphore(%arg15 : memref<!tpu.dma_semaphore, #tpu.memory_space<semaphore_mem>>) src(%dma_wait3A_63 : memref<200x64xf32, #tpu.memory_space<vmem>>) dst(%dma_wait3A_59 : memref<200x64xf32, #tpu.memory_space<hbm>>)
    %add3A_64 = arith.constant 127 : i32
    %add3A_65 = arith.addi %mul3A_2, %add3A_64 : i32
    %dma_wait3A_66 = arith.constant 3 : i32
    %dma_wait3A_67 = arith.constant 0 : i32
    %dma_wait3A_68 = arith.constant 0 : i32
    %dma_wait3A_69 = tpu.memref_slice %arg8[%dma_wait3A_66, %dma_wait3A_67, %dma_wait3A_68] : memref<4x200x64xf32, #tpu.memory_space<vmem>> -> memref<1x200x64xf32, #tpu.memory_space<vmem>>
    %dma_wait3A_70 = tpu.memref_squeeze %dma_wait3A_69 : memref<1x200x64xf32, #tpu.memory_space<vmem>> -> memref<200x64xf32, #tpu.memory_space<vmem>>
    %dma_wait3A_71 = arith.constant 0 : i32
    %dma_wait3A_72 = arith.constant 0 : i32
    %dma_wait3A_73 = tpu.memref_slice %arg5[%add3A_65, %dma_wait3A_71, %dma_wait3A_72] : memref<4096x200x64xf32, #tpu.memory_space<hbm>> -> memref<1x200x64xf32, #tpu.memory_space<hbm>>
    %dma_wait3A_74 = tpu.memref_squeeze %dma_wait3A_73 : memref<1x200x64xf32, #tpu.memory_space<hbm>> -> memref<200x64xf32, #tpu.memory_space<hbm>>
    %dma_wait3A_75 = arith.constant 0 : i32
    %dma_wait3A_76 = arith.constant 0 : i32
    %dma_wait3A_77 = tpu.memref_slice %arg5[%add3A_65, %dma_wait3A_75, %dma_wait3A_76] : memref<4096x200x64xf32, #tpu.memory_space<hbm>> -> memref<1x200x64xf32, #tpu.memory_space<hbm>>
    %dma_wait3A_78 = tpu.memref_squeeze %dma_wait3A_77 : memref<1x200x64xf32, #tpu.memory_space<hbm>> -> memref<200x64xf32, #tpu.memory_space<hbm>>
    %dma_wait3A_79 = arith.constant 0 : i32
    %dma_wait3A_80 = arith.constant 0 : i32
    %dma_wait3A_81 = tpu.memref_slice %arg8[%dma_wait3A_66, %dma_wait3A_79, %dma_wait3A_80] : memref<4x200x64xf32, #tpu.memory_space<vmem>> -> memref<1x200x64xf32, #tpu.memory_space<vmem>>
    %dma_wait3A_82 = tpu.memref_squeeze %dma_wait3A_81 : memref<1x200x64xf32, #tpu.memory_space<vmem>> -> memref<200x64xf32, #tpu.memory_space<vmem>>
    tpu.wait_dma2 semaphore(%arg16 : memref<!tpu.dma_semaphore, #tpu.memory_space<semaphore_mem>>) src(%dma_wait3A_82 : memref<200x64xf32, #tpu.memory_space<vmem>>) dst(%dma_wait3A_78 : memref<200x64xf32, #tpu.memory_space<hbm>>)
    return
  }
}

</mosaic_0001>

<sc_bundles>
// kernel: kernel.3.cloned.1.call-start
scs
__scs_entry_jumppad:
0x0: {  	(pc) =	sbr.rel $0x88, $3  }
0x1: {  	(tag) =	ssettag $0x0;
	lr =	simm.s32 $0x1  }
0x2: {  	[smem:$0x3F9E] =	sst lr;
	_ =	strace $0xD0000000  }
0x3: {  	_ = 	snop  }
0x4: {  	_ = 	snop  }
0x5: {  	_ = 	snop  }
0x6: {  	_ = 	snop  }
0x7: {  	_ = 	snop  }
__scs_overlays_trampoline_lowered:
0x8: {  	[smem:$0x3FAD] =	sst s0  }
0x9: {  	[smem:$0x3FAE] =	sst s1  }
0xa: {  	[smem:$0x3FAF] =	sst s2  }
0xb: {  	[smem:$0x3FB0] =	sst s3  }
0xc: {  	[smem:$0x3FB1] =	sst s4  }
0xd: {  	[smem:$0x3FB2] =	sst s5  }
0xe: {  	[smem:$0x3FB3] =	sst s6  }
0xf: {  	[smem:$0x3FB4] =	sst s7  }
0x10: {  	[smem:$0x3FB5] =	sst s8  }
0x11: {  	[smem:$0x3FB6] =	sst s9;
	s0 =	simm.s32 @!p0 $0x0  }
0x12: {  	s1 =	sld [smem:$0x3F9C];
	s0 =	simm.s32 @p0 $0x1  }
0x13: {  	[smem:$0x3FB7] =	sst s0;
	s0 =	simm.s32 @!p1 $0x0  }
0x14: {  	s2 =	sld [smem:$0x3F9B];
	s0 =	simm.s32 @p1 $0x1  }
0x15: {  	[smem:$0x3FB8] =	sst s0;
	s0 =	simm.s32 @!p2 $0x0  }
0x16: {  	s3 =	sld [smem:$0x3FDB];
	s0 =	simm.s32 @p2 $0x1  }
0x17: {  	s4 =	simm.s32 $0x1BF5;
	[smem:$0x3FBA] =	sst s0  }
0x18: {  	s0 =	sld [smem:$0x3F9D];
	_ =	swait.ge [sflag:s4], $0x0  }
0x19: {  	s7 =	sld [smem:$0x3F9E]  }
0x1a: {  	s8 =	sadd.s32 $0xFFFFE003, lr  }
0x1b: {  	s9 =	sadd.s32 $0xFFFFFEF7, lr;
	s5 =	simm.s32 $0xFFFFFFFF;
	p2 =	slt.u32 s8, $0xFFFFF086  }
0x1c: {  	p1 =	slt.u32 s9, $0xF7A;
	s5 =	simm.s32 @!p2 $0x0  }
0x1d: {  	s5 =	simm.s32 @p1 $0x1;
	p0 =	seq.s32 s7, s2  }
0x1e: {  	s7 =	smul.u32 @!p0 $0xF7A, s2;
	p2 =	seq.s32 @!p0 s5, $0x0  }
0x1f: {  	s9 =	smul.u32 $0xF7A, s1;
	s8 =	simm.s32 @!p0 $0x1BF5;
	p2 =	por !p2, p0  }
0x20: {  	[sflag:s8] =	ssyncset.s32 @!p0 $0xFFFFF086;
	s6 =	sadd.s32 @!p0 s3, s7;
	s7 =	simm.s32 @!p0 $0x108  }
0x21: {  	s3 =	sadd.s32 s3, s9;
	s6 =	sadd.s32 @!p0 $0x88, s6;
	s7 =	simm.s32 @p2 $0x1082  }
0x22: {  	[simem:s7], [sflag:s8] =	dma.local @!p0 [hbm:s6], $0xF7A  }
0x23: {  	s9 =	sor.u32 $0xD0000000, s2;
	s6 =	simm.s32 $0x108;
	_ =	swait.ge @!p0 [sflag:s8], $0x0  }
0x24: {  	s3 =	sadd.s32 $0x88, s3;
	s6 =	simm.s32 @!p1 $0x1082;
	[sflag:s4] =	ssyncset.s32 $0xFFFFF086  }
0x25: {  	[simem:s6], [sflag:s4] =	dma.local [hbm:s3], $0xF7A  }
0x26: {  	[smem:$0x3F9E] =	sst s1;
	(tag) =	ssettag s2;
	_ =	strace s9  }
0x27: {  	s1 =	sld [smem:$0x3FAE]  }
0x28: {  	s2 =	sld [smem:$0x3FAF]  }
0x29: {  	s4 =	sld [smem:$0x3FB1]  }
0x2a: {  	p0 =	seq.s32 s5, $0x0;
	s5 =	sld [smem:$0x3FB2]  }
0x2b: {  	s6 =	sld [smem:$0x3FB3]  }
0x2c: {  	s7 =	sld [smem:$0x3FB4]  }
0x2d: {  	s3 =	simm.s32 $0x108;
	s8 =	sld [smem:$0x3FB5]  }
0x2e: {  	s3 =	simm.s32 @!p0 $0x1082;
	s9 =	sld [smem:$0x3FB6]  }
0x2f: {  	lr =	sadd.s32 s0, s3;
	s0 =	sld [smem:$0x3FAD]  }
0x30: {  	s3 =	sld [smem:$0x3FB0]  }
0x31: {  	[smem:$0x3FB9] =	sst s10  }
0x32: {  	s10 =	sld [smem:$0x3FB7];
	_ =	sdelay $0x3  }
0x33: {  	p0 =	seq.s32 s10, $0x1;
	s10 =	sld [smem:$0x3FB9];
	_ =	sdelay $0x3  }
0x34: {  	[smem:$0x3FB9] =	sst s10  }
0x35: {  	s10 =	sld [smem:$0x3FB8];
	_ =	sdelay $0x3  }
0x36: {  	p1 =	seq.s32 s10, $0x1;
	s10 =	sld [smem:$0x3FB9];
	_ =	sdelay $0x3  }
0x37: {  	[smem:$0x3FB9] =	sst s10  }
0x38: {  	s10 =	sld [smem:$0x3FBA]  }
0x39: {  	_ = 	snop;
	(pc) =	sbr.ind lr, $3  }
0x3a: {  	_ = 	snop  }
0x3b: {  	_ = 	snop  }
0x3c: {  	p2 =	seq.s32 s10, $0x1;
	s10 =	sld [smem:$0x3FB9]  }
0x3d: {  	_ =	shalt  }
0x3e: {  	_ =	shalt  }
0x3f: {  	_ =	shalt  }
0x40: {  	_ =	shalt  }
0x41: {  	_ =	shalt  }
0x42: {  	_ =	shalt  }
0x43: {  	_ =	shalt  }
0x44: {  	_ =	shalt  }
0x45: {  	_ =	shalt  }
0x46: {  	_ =	shalt  }
0x47: {  	_ =	shalt  }
0x48: {  	_ =	shalt  }
0x49: {  	_ =	shalt  }
0x4a: {  	_ =	shalt  }
0x4b: {  	_ =	shalt  }
0x4c: {  	_ =	shalt  }
0x4d: {  	_ =	shalt  }
0x4e: {  	_ =	shalt  }
0x4f: {  	_ =	shalt  }
0x50: {  	_ =	shalt  }
0x51: {  	_ =	shalt  }
0x52: {  	_ =	shalt  }
0x53: {  	_ =	shalt  }
0x54: {  	_ =	shalt  }
0x55: {  	_ =	shalt  }
0x56: {  	_ =	shalt  }
0x57: {  	_ =	shalt  }
0x58: {  	_ =	shalt  }
0x59: {  	_ =	shalt  }
0x5a: {  	_ =	shalt  }
0x5b: {  	_ =	shalt  }
0x5c: {  	_ =	shalt  }
0x5d: {  	_ =	shalt  }
0x5e: {  	_ =	shalt  }
0x5f: {  	_ =	shalt  }
0x60: {  	_ =	shalt  }
0x61: {  	_ =	shalt  }
0x62: {  	_ =	shalt  }
0x63: {  	_ =	shalt  }
0x64: {  	_ =	shalt  }
0x65: {  	_ =	shalt  }
0x66: {  	_ =	shalt  }
0x67: {  	_ =	shalt  }
0x68: {  	_ =	shalt  }
0x69: {  	_ =	shalt  }
0x6a: {  	_ =	shalt  }
0x6b: {  	_ =	shalt  }
0x6c: {  	_ =	shalt  }
0x6d: {  	_ =	shalt  }
0x6e: {  	_ =	shalt  }
0x6f: {  	_ =	shalt  }
0x70: {  	_ =	shalt  }
0x71: {  	_ =	shalt  }
0x72: {  	_ =	shalt  }
0x73: {  	_ =	shalt  }
0x74: {  	_ =	shalt  }
0x75: {  	_ =	shalt  }
0x76: {  	_ =	shalt  }
0x77: {  	_ =	shalt  }
0x78: {  	_ =	shalt  }
0x79: {  	_ =	shalt  }
0x7a: {  	_ =	shalt  }
0x7b: {  	_ =	shalt  }
0x7c: {  	_ =	shalt  }
0x7d: {  	_ =	shalt  }
0x7e: {  	_ =	shalt  }
0x7f: {  	_ =	shalt  }
0x80: {  	_ =	shalt  }
0x81: {  	_ =	shalt  }
0x82: {  	_ =	shalt  }
0x83: {  	_ =	shalt  }
0x84: {  	_ =	shalt  }
0x85: {  	_ =	shalt  }
0x86: {  	_ =	shalt  }
0x87: {  	_ =	shalt  }
.Lfunc_end0:
.L_simem_size_0:
called_computation_lowered:
.L_overlay_start_0:
0x88: {  	s2 =	sld [smem:$0x3FD9]  }
0x89: {  	s3 =	sld [smem:$0x3FFE];
	_ =	sdelay $0x1  }
0x8a: {  	s1 =	srdreg.scid  }
0x8b: {  	s0 =	sand.u32 $0x1, s1  }
0x8c: {  	s17 =	sshll.u32 s0, $0xA;
	s2 =	sadd.s32 s3, s2  }
0x8d: {  	s2 =	sadd.s32 s2, s17  }
0x8e: {  	[smem:$0x3FC5] =	sst s2  }
0x8f: {  	_ = 	snop  }
0x90: {  	s2 =	sld [smem:$0x3FC8]  }
0x91: {  	s18 =	sld [smem:$0x3FD0];
	(tm) =	ssettm $0x1  }
0x92: {  	s4 =	sld [smem:$0x3FFB];
	_ =	sdelay $0x3  }
0x93: {  	_ =	strace s4  }
0x94: {  	s4 =	sld [smem:$0x3FFC];
	_ =	sdelay $0x3  }
0x95: {  	_ =	strace s4  }
0x96: {  	s4 =	sld [smem:$0x3FFD];
	_ =	sdelay $0x3  }
0x97: {  	_ =	strace s4  }
0x98: {  	_ =	strace $0x8FFFFFFF  }
0x99: {  	s19 =	sld [smem:$0x3FDB];
	_ =	sdelay $0x1  }
0x9a: {  	s5 =	simm.s32 $_scs_section_size  }
0x9b: {  	s6 =	simm.s32 $_size__tile_overlayer_lowered;
	s7 =	simm.s32 $_tile_overlayer_lowered  }
0x9c: {  	s22 =	simm.s32 $0x1BFF;
	s21 =	sshll.u32 s7, $0x1;
	s4 =	sadd.s32 s5, s19  }
0x9d: {  	s8 =	simm.s32 $0x0;
	s20 =	sshll.u32 s6, $0x1;
	s6 =	sadd.s32 s21, s4  }
0x9e: {  	[timem:s8], [sflag:s22] =	dma.local [hbm:s6], s20  }
0x9f: {  	_ =	swait.ge [sflag:s22], s20  }
0xa0: {  	s5 =	ssub.s32 $0x0, s20;
	[sflag:s22] =	ssyncset.done $0x0  }
0xa1: {  	[sflag:s22] =	ssyncadd.s32 s5;
	_ =	sdelay $0x1  }
0xa2: {  	s23 =	simm.s32 $0x1B8B  }
0xa3: {  	_ =	swait.ge [sflag:s23], $0x1  }
0xa4: {  	[sflag:s23] =	ssyncset.done $0x0  }
0xa5: {  	s25 =	simm.s32 $0x1B8E;
	s24 =	sld [smem:$0x3FFE];
	[sflag:s23] =	ssyncadd.s32 $0xFFFFFFFF  }
0xa6: {  	s26 =	simm.s32 $execute0_lowered;
	[smem:$0x3FD2] =	sst s25  }
0xa7: {  	s6 =	sshll.u32 s26, $0x1;
	_ =	strace $0x80000046;
	[dreg:$0x1] =	wrdreg $0xFFFFFFFF  }
0xa8: {  	s28 =	simm.s32 $_size_execute0_lowered;
	s4 =	sadd.s32 s4, s6;
	[dreg:$0x0] =	wrdreg $0x0  }
0xa9: {  	s6 =	sshll.u32 s28, $0x1;
	[dreg:$0x2] =	wrdreg s4  }
0xaa: {  	[dreg:$0x3] =	wrdreg s6  }
0xab: {  	[dreg:$0x4] =	wrdreg $0xC0  }
0xac: {  	_ =	task [dreg:s8], $0x5FFFF  }
0xad: {  	[dreg:$0x1] =	wrdreg $0xFFFFFFFF  }
0xae: {  	[dreg:$0x0] =	wrdreg $0x60  }
0xaf: {  	[dreg:$0x2] =	wrdreg s24  }
0xb0: {  	[dreg:$0x3] =	wrdreg s2  }
0xb1: {  	[dreg:$0x4] =	wrdreg s18  }
0xb2: {  	[dreg:$0x5] =	wrdreg $0x9  }
0xb3: {  	_ =	task.clear_ibuf [dreg:s8], $0x6FFFF;
	_ =	strace $0x90000046  }
0xb4: {  	s29 =	simm.s32 $0x9;
	_ =	strace $0x80000048  }
0xb5: {  	_ =	swait.ge [sflag:s29], $0x1  }
0xb6: {  	[sflag:s29] =	ssyncadd.s32 $0xFFFFFFFF  }
0xb7: {  	_ =	strace $0x90000048  }
0xb8: {  	_ =	sfence  }
0xb9: {  	s30 =	sld [smem:$0x0];
	_ =	sdelay $0x2  }
0xba: {  	s31 =	sshll.u32 s1, $0xD;
	s1 =	sshrl.u32 s1, $0x2  }
0xbb: {  	s3 =	sand.u32 $0x4000, s31;
	s1 =	sadd.s32 s1, s30  }
0xbc: {  	s0 =	sor.u32 s3, s0;
	s1 =	sshll.u32 s1, $0x11  }
0xbd: {  	s0 =	sor.u32 s1, s0  }
0xbe: {  	s0 =	sadd.s32 $0x8F2B, s0  }
0xbf: {  	[sflag:s0] =	ssyncadd.remote.s32 $0x1  }
0xc0: {  	_ =	sfence.sel $0xFFFF  }
0xc1: {  	[dreg:$0x0] =	wrdreg $0xFFFFFFFF;
	(pc) =	sbr.abs _section_cstart, $3  }
0xc2: {  	[dreg:$0x1] =	wrdreg $0xFFFFFFFF  }
0xc3: {  	_ =	task.clear_ibuf [dreg:s8], $0x2FFFF;
	_ =	strace $0x9FFFFFFF  }
0xc4: {  	(tm) =	ssettm $0x7FFFFFFF  }
0xc5: {  	_ =	shalt  }
tec
execute0_lowered:
.L_overlay_start_1:
0x0: {  	(tag) =	ssettag $0x1  }
0x1: {  	s0 =	rddreg [dreg:$0x0]  }
0x2: {  	s1 =	rddreg [dreg:$0x1]  }
0x3: {  	s3 =	simm.s32 $0x0;
	s2 =	srdreg.scid;
	s4 =	stileid.u32  }
0x4: {  	s9 =	simm.s32 $0x9;
	s11 =	simm.s32 $0x6500;
	s12 =	simm.s32 $0xC900  }
0x5: {  	s13 =	simm.s32 $0x12D00;
	s14 =	simm.s32 $0x19100;
	s15 =	simm.s32 $0x1  }
0x6: {  	s16 =	simm.s32 $0x2;
	s17 =	simm.s32 $0x3;
	s18 =	simm.s32 $0x4  }
0x7: {  	s19 =	simm.s32 $0x5;
	s20 =	simm.s32 $0x6;
	s21 =	simm.s32 $0x7  }
0x8: {  	s22 =	simm.s32 $0x8;
	s2 =	sand.u32 $0x1, s2;
	s4 =	sshll.u32 s4, $0x8  }
.Ltmp0:
0x9: {  	s6 =	ssub.s32 $0x2, s2;
	s2 =	sshll.u32 s2, $0x7;
	(pc) =	sbr.rel .LBB2_1-.Ltmp0, $4  }
0xa: {  	s23 =	simm.s32 $0x0;
	[smem:$0x7FF] =	sst s3;
	s4 =	sor.u32 s2, s4  }
0xb: {  	s5 =	sadd.s32 $0x400, s0;
	s7 =	sshrl.u32 s6, $0x1;
	s30 =	sshrl.u32 s4, $0x3  }
0xc: {  	_ =	strace $0x80000047;
	s29 =	ssub.s32 s6, s7;
	s31 =	sadd.s32 s1, s30  }
0xd: {  	s6 =	sadd.s32 $0xC80400, s0;
	s8 =	smax.u32 s29, $0x1;
	[dreg:$0x4] =	wrdreg s31  }
.LBB2_31:
0xe: {  	_ =	swait.ge [sflag:s19], $0x6400  }
0xf: {  	[sflag:s19] =	ssyncset.done $0x0  }
0x10: {  	[sflag:s19] =	ssyncadd.s32 $0xFFFF9C00  }
0x11: {  	_ =	swait.ge [sflag:s20], $0x6400  }
0x12: {  	[sflag:s20] =	ssyncset.done $0x0  }
0x13: {  	s23 =	sadd.s32 $0x1, s23;
	[sflag:s20] =	ssyncadd.s32 $0xFFFF9C00  }
0x14: {  	p0 =	sne.s32 s23, s8;
	_ =	swait.ge [sflag:s21], $0x6400  }
.Ltmp1:
0x15: {  	[sflag:s21] =	ssyncset.done $0x0;
	(pc) =	sbr.rel @!p0 .LBB2_32-.Ltmp1, $4  }
0x16: {  	[sflag:s21] =	ssyncadd.s32 $0xFFFF9C00  }
0x17: {  	_ =	swait.ge [sflag:s22], $0x6400  }
0x18: {  	[sflag:s22] =	ssyncset.done $0x0  }
0x19: {  	[sflag:s22] =	ssyncadd.s32 $0xFFFF9C00  }
.LBB2_1:
0x1a: {  	s0 =	rddreg [dreg:$0x2]  }
0x1b: {  	[tilespmem:s3], [sflag:$0x9] =	stream.linear.gather [hbm4b:s0+s3], $0x6400, $0x38;
	[tilespmem:$0x1F500] =	vst v63  }
0x1c: {  	_ =	swait.ge [sflag:s9], $0x6400  }
0x1d: {  	s1 =	simm.s32 $0x6400;
	[sflag:s9] =	ssyncset.done $0x0  }
.Ltmp2:
0x1e: {  	s31 =	rddreg [dreg:$0x4];
	[sflag:s9] =	ssyncadd.s32 $0xFFFF9C00;
	(pc) =	sbr.rel .LBB2_2-.Ltmp2, $4  }
0x1f: {  	[tilespmem:s1], [sflag:$0x9] =	stream.linear.gather [hbm4b:s31+s3], $0x80, $0x38;
	[tilespmem:$0x1F500] =	vst v63  }
0x20: {  	_ =	swait.ge [sflag:s9], $0x80  }
0x21: {  	[sflag:s9] =	ssyncset.done $0x0  }
0x22: {  	s24 =	simm.s32 $0x0;
	[sflag:s9] =	ssyncadd.s32 $0xFFFFFF80  }
.LBB2_25:
0x23: {  	s2 =	simm.s32 $0x19130  }
.LBB2_29:
0x24: {  	s2 =	sadd.s32 @p0 $0x80, s2  }
0x25: {  	s0 =	smov.u32 @p0 s2  }
0x26: {  	[tilespmem:s0+$0xFFFFFFD0] =	vst.add.f32.msk $0xffff, v0  }
0x27: {  	v0 =	vld [tilespmem:s1+$0xFFFFFFF0];
	_ =	sdelay $0x4  }
0x28: {  	[tilespmem:s0+$0xFFFFFFE0] =	vst.add.f32.msk $0xffff, v0  }
0x29: {  	v0 =	vld [tilespmem:s1+$0x0];
	_ =	sdelay $0x4  }
0x2a: {  	[tilespmem:s0+$0xFFFFFFF0] =	vst.add.f32.msk $0xffff, v0  }
0x2b: {  	v0 =	vld [tilespmem:s1+$0x10];
	_ =	sdelay $0x4  }
0x2c: {  	[tilespmem:s0+$0x0] =	vst.add.f32.msk $0xffff, v0  }
.LBB2_30:
0x2d: {  	s24 =	sadd.s32 $0x1, s24  }
0x2e: {  	p0 =	sne.s32 s24, $0x20  }
.Ltmp3:
0x2f: {  	_ = 	snop;
	(pc) =	sbr.rel @!p0 .LBB2_31-.Ltmp3, $3  }
0x30: {  	_ =	sdelay $0x1  }
0x31: {  	s0 =	sadd.s32 s6, s25  }
0x32: {  	[hbm4b:s0+s3] =	stream.linear.scatter [tilespmem:s14], [sflag:$0x8], $0x6400, $0x38;
	[tilespmem:$0x1F500] =	vst v63  }
.LBB2_2:
0x33: {  	s26 =	sshll.u32 s24, $0x2;
	p0 =	seq.s32 s24, $0x0  }
0x34: {  	s0 =	simm.s32 @!p0 $0x5;
	s1 =	sor.u32 s4, s26  }
0x35: {  	_ =	swait.ge @!p0 [sflag:s0], $0x6400;
	s31 =	smul.u32 $0xC80, s1  }
0x36: {  	[sflag:s0] =	ssyncset.done @!p0 $0x0  }
0x37: {  	[sflag:s0] =	ssyncadd.s32 @!p0 $0xFFFF9C00;
	s7 =	sadd.s32 s5, s31;
	s0 =	sor.u32 $0x1, s26  }
0x38: {  	[tilespmem:s11], [sflag:$0x1] =	stream.linear.gather [hbm4b:s7+s3], $0x6400, $0x38;
	[tilespmem:$0x1F500] =	vst v63  }
0x39: {  	s1 =	simm.s32 @!p0 $0x6;
	s2 =	sor.u32 s4, s0  }
0x3a: {  	s30 =	sor.u32 $0x2, s26;
	_ =	swait.ge @!p0 [sflag:s1], $0x6400;
	s29 =	smul.u32 $0xC80, s2  }
0x3b: {  	s25 =	sor.u32 s4, s30;
	[sflag:s1] =	ssyncset.done @!p0 $0x0  }
0x3c: {  	[sflag:s1] =	ssyncadd.s32 @!p0 $0xFFFF9C00;
	s10 =	sadd.s32 s5, s29;
	s1 =	simm.s32 @!p0 $0x7  }
0x3d: {  	[tilespmem:s12], [sflag:$0x2] =	stream.linear.gather [hbm4b:s10+s3], $0x6400, $0x38;
	[tilespmem:$0x1F500] =	vst v63  }
0x3e: {  	s28 =	smul.u32 $0xC80, s25;
	_ =	swait.ge @!p0 [sflag:s1], $0x6400  }
0x3f: {  	[sflag:s1] =	ssyncset.done @!p0 $0x0  }
0x40: {  	s7 =	sadd.s32 s5, s28;
	[sflag:s1] =	ssyncadd.s32 @!p0 $0xFFFF9C00;
	s1 =	simm.s32 @!p0 $0x8  }
0x41: {  	[tilespmem:s13], [sflag:$0x3] =	stream.linear.gather [hbm4b:s7+s3], $0x6400, $0x38;
	[tilespmem:$0x1F500] =	vst v63  }
0x42: {  	_ =	swait.ge @!p0 [sflag:s1], $0x6400  }
0x43: {  	s25 =	sadd.s32 $0x2580, s31;
	[sflag:s1] =	ssyncset.done @!p0 $0x0  }
0x44: {  	s10 =	sadd.s32 s5, s25;
	[sflag:s1] =	ssyncadd.s32 @!p0 $0xFFFF9C00  }
0x45: {  	[tilespmem:s14], [sflag:$0x4] =	stream.linear.gather [hbm4b:s10+s3], $0x6400, $0x38;
	[tilespmem:$0x1F500] =	vst v63  }
0x46: {  	_ =	swait.ge [sflag:s15], $0x6400  }
0x47: {  	[sflag:s15] =	ssyncset.done $0x0  }
0x48: {  	[sflag:s15] =	ssyncadd.s32 $0xFFFF9C00  }
0x49: {  	v0 =	vld [tilespmem:s26+$0x6400];
	_ =	sdelay $0x4  }
0x4a: {  	(v2sf) =	vpush v0, $0x0;
	_ =	sdelay $0xe  }
0x4b: {  	s7 =	spop (v2sf)  }
0x4c: {  	p0 =	slt.s32 s7, $0x1  }
.Ltmp4:
0x4d: {  	_ = 	snop;
	(pc) =	sbr.rel @p0 .LBB2_9-.Ltmp4, $1  }
0x4e: {  	_ =	sdelay $0x3  }
0x4f: {  	p1 =	sne.s32 s7, $0x1  }
.Ltmp5:
0x50: {  	_ = 	snop;
	(pc) =	sbr.rel @!p1 .LBB2_4-.Ltmp5, $3  }
0x51: {  	_ =	sdelay $0x1  }
0x52: {  	s1 =	simm.s32 $0x20  }
0x53: {  	s2 =	simm.s32 $0x6500;
	s7 =	sadd.s32 $0xFFFFFFFF, s7;
	p0 =	por $0x0, $0x0;
	v0 =	vld [tilespmem:s1+$0xFFFFFFE0]  }
0x54: {  	_ =	sdelay $0x3  }
0x55: {  	[tilespmem:s2+$0x0] =	vst.add.f32.msk $0xffff, v0  }
0x56: {  	v0 =	vld [tilespmem:s1+$0xFFFFFFF0];
	_ =	sdelay $0x4  }
0x57: {  	[tilespmem:s2+$0x10] =	vst.add.f32.msk $0xffff, v0  }
0x58: {  	v0 =	vld [tilespmem:s1+$0x0];
	_ =	sdelay $0x4  }
0x59: {  	[tilespmem:s2+$0x20] =	vst.add.f32.msk $0xffff, v0  }
0x5a: {  	v0 =	vld [tilespmem:s1+$0x10]  }
0x5b: {  	p1 =	sne.s32 s7, $0x1  }
.Ltmp6:
0x5c: {  	_ = 	snop;
	(pc) =	sbr.rel @!p1 .LBB2_6-.Ltmp6, $3  }
0x5d: {  	_ =	sdelay $0x1  }
0x5e: {  	s1 =	simm.s32 $0xA0;
	[tilespmem:s2+$0x30] =	vst.add.f32.msk $0xffff, v0  }
0x5f: {  	s7 =	sadd.s32 $0xFFFFFFFF, s7;
	p0 =	por $0x1, $0x1;
	s10 =	simm.s32 $0x6500;
	v0 =	vld [tilespmem:s1+$0xFFFFFFE0]  }
.LBB2_7:
0x60: {  	p1 =	sne.s32 s7, $0x1;
	_ =	sdelay $0x2  }
0x61: {  	s10 =	sadd.s32 $0x80, s10  }
0x62: {  	[tilespmem:s10+$0x0] =	vst.add.f32.msk $0xffff, v0  }
0x63: {  	v0 =	vld [tilespmem:s1+$0xFFFFFFF0];
	_ =	sdelay $0x4  }
0x64: {  	[tilespmem:s10+$0x10] =	vst.add.f32.msk $0xffff, v0  }
0x65: {  	v0 =	vld [tilespmem:s1+$0x0];
	_ =	sdelay $0x4  }
0x66: {  	[tilespmem:s10+$0x20] =	vst.add.f32.msk $0xffff, v0  }
0x67: {  	v0 =	vld [tilespmem:s1+$0x10];
	_ =	sdelay $0x1  }
.Ltmp7:
0x68: {  	(pc) =	sbr.rel @p1 .LBB2_7-.Ltmp7, $3  }
0x69: {  	_ =	sdelay $0x1  }
0x6a: {  	s1 =	sadd.s32 $0x80, s1;
	[tilespmem:s10+$0x30] =	vst.add.f32.msk $0xffff, v0  }
0x6b: {  	s7 =	sadd.s32 $0xFFFFFFFF, s7;
	v0 =	vld [tilespmem:s1+$0xFFFFFFE0]  }
.LBB2_8:
0x6c: {  	_ =	sdelay $0x1  }
0x6d: {  	s7 =	sadd.s32 @p0 $0x80, s10  }
0x6e: {  	s2 =	smov.u32 @p0 s7  }
0x6f: {  	[tilespmem:s2+$0x0] =	vst.add.f32.msk $0xffff, v0  }
0x70: {  	v0 =	vld [tilespmem:s1+$0xFFFFFFF0];
	_ =	sdelay $0x4  }
0x71: {  	[tilespmem:s2+$0x10] =	vst.add.f32.msk $0xffff, v0  }
0x72: {  	v0 =	vld [tilespmem:s1+$0x0];
	_ =	sdelay $0x4  }
0x73: {  	[tilespmem:s2+$0x20] =	vst.add.f32.msk $0xffff, v0  }
0x74: {  	v0 =	vld [tilespmem:s1+$0x10];
	_ =	sdelay $0x4  }
0x75: {  	[tilespmem:s2+$0x30] =	vst.add.f32.msk $0xffff, v0  }
.LBB2_9:
0x76: {  	s1 =	sadd.s32 s6, s31  }
0x77: {  	[hbm4b:s1+s3] =	stream.linear.scatter [tilespmem:s11], [sflag:$0x5], $0x6400, $0x38;
	[tilespmem:$0x1F500] =	vst v63  }
0x78: {  	_ =	swait.ge [sflag:s16], $0x6400  }
0x79: {  	[sflag:s16] =	ssyncset.done $0x0  }
0x7a: {  	[sflag:s16] =	ssyncadd.s32 $0xFFFF9C00  }
0x7b: {  	v0 =	vld [tilespmem:s0+$0x6400];
	_ =	sdelay $0x4  }
0x7c: {  	(v2sf) =	vpush v0, $0x0;
	_ =	sdelay $0xe  }
0x7d: {  	s2 =	spop (v2sf)  }
0x7e: {  	p0 =	slt.s32 s2, $0x1  }
.Ltmp8:
0x7f: {  	_ = 	snop;
	(pc) =	sbr.rel @p0 .LBB2_16-.Ltmp8, $1  }
0x80: {  	_ =	sdelay $0x3  }
0x81: {  	p1 =	sne.s32 s2, $0x1  }
.Ltmp9:
0x82: {  	_ = 	snop;
	(pc) =	sbr.rel @!p1 .LBB2_11-.Ltmp9, $3  }
0x83: {  	_ =	sdelay $0x1  }
0x84: {  	s1 =	simm.s32 $0x20  }
0x85: {  	s0 =	simm.s32 $0xC930;
	s2 =	sadd.s32 $0xFFFFFFFF, s2;
	p0 =	por $0x0, $0x0;
	v0 =	vld [tilespmem:s1+$0xFFFFFFE0]  }
0x86: {  	_ =	sdelay $0x3  }
0x87: {  	[tilespmem:s0+$0xFFFFFFD0] =	vst.add.f32.msk $0xffff, v0  }
0x88: {  	v0 =	vld [tilespmem:s1+$0xFFFFFFF0];
	_ =	sdelay $0x4  }
0x89: {  	[tilespmem:s0+$0xFFFFFFE0] =	vst.add.f32.msk $0xffff, v0  }
0x8a: {  	v0 =	vld [tilespmem:s1+$0x0];
	_ =	sdelay $0x4  }
0x8b: {  	[tilespmem:s0+$0xFFFFFFF0] =	vst.add.f32.msk $0xffff, v0  }
0x8c: {  	v0 =	vld [tilespmem:s1+$0x10]  }
0x8d: {  	p1 =	sne.s32 s2, $0x1  }
.Ltmp10:
0x8e: {  	_ = 	snop;
	(pc) =	sbr.rel @!p1 .LBB2_13-.Ltmp10, $3  }
0x8f: {  	_ =	sdelay $0x1  }
0x90: {  	s1 =	simm.s32 $0xA0;
	[tilespmem:s0+$0x0] =	vst.add.f32.msk $0xffff, v0  }
0x91: {  	s7 =	sadd.s32 $0xFFFFFFFF, s2;
	p0 =	por $0x1, $0x1;
	s2 =	simm.s32 $0xC930;
	v0 =	vld [tilespmem:s1+$0xFFFFFFE0]  }
.LBB2_14:
0x92: {  	p1 =	sne.s32 s7, $0x1;
	_ =	sdelay $0x2  }
0x93: {  	s2 =	sadd.s32 $0x80, s2  }
0x94: {  	[tilespmem:s2+$0xFFFFFFD0] =	vst.add.f32.msk $0xffff, v0  }
0x95: {  	v0 =	vld [tilespmem:s1+$0xFFFFFFF0];
	_ =	sdelay $0x4  }
0x96: {  	[tilespmem:s2+$0xFFFFFFE0] =	vst.add.f32.msk $0xffff, v0  }
0x97: {  	v0 =	vld [tilespmem:s1+$0x0];
	_ =	sdelay $0x4  }
0x98: {  	[tilespmem:s2+$0xFFFFFFF0] =	vst.add.f32.msk $0xffff, v0  }
0x99: {  	v0 =	vld [tilespmem:s1+$0x10];
	_ =	sdelay $0x1  }
.Ltmp11:
0x9a: {  	(pc) =	sbr.rel @p1 .LBB2_14-.Ltmp11, $3  }
0x9b: {  	_ =	sdelay $0x1  }
0x9c: {  	s1 =	sadd.s32 $0x80, s1;
	[tilespmem:s2+$0x0] =	vst.add.f32.msk $0xffff, v0  }
0x9d: {  	s7 =	sadd.s32 $0xFFFFFFFF, s7;
	v0 =	vld [tilespmem:s1+$0xFFFFFFE0]  }
.LBB2_15:
0x9e: {  	_ =	sdelay $0x1  }
0x9f: {  	s2 =	sadd.s32 @p0 $0x80, s2  }
0xa0: {  	s0 =	smov.u32 @p0 s2  }
0xa1: {  	[tilespmem:s0+$0xFFFFFFD0] =	vst.add.f32.msk $0xffff, v0  }
0xa2: {  	v0 =	vld [tilespmem:s1+$0xFFFFFFF0];
	_ =	sdelay $0x4  }
0xa3: {  	[tilespmem:s0+$0xFFFFFFE0] =	vst.add.f32.msk $0xffff, v0  }
0xa4: {  	v0 =	vld [tilespmem:s1+$0x0];
	_ =	sdelay $0x4  }
0xa5: {  	[tilespmem:s0+$0xFFFFFFF0] =	vst.add.f32.msk $0xffff, v0  }
0xa6: {  	v0 =	vld [tilespmem:s1+$0x10];
	_ =	sdelay $0x4  }
0xa7: {  	[tilespmem:s0+$0x0] =	vst.add.f32.msk $0xffff, v0  }
.LBB2_16:
0xa8: {  	s0 =	sadd.s32 s6, s29  }
0xa9: {  	[hbm4b:s0+s3] =	stream.linear.scatter [tilespmem:s12], [sflag:$0x6], $0x6400, $0x38;
	[tilespmem:$0x1F500] =	vst v63  }
0xaa: {  	_ =	swait.ge [sflag:s17], $0x6400  }
0xab: {  	[sflag:s17] =	ssyncset.done $0x0  }
0xac: {  	[sflag:s17] =	ssyncadd.s32 $0xFFFF9C00  }
0xad: {  	v0 =	vld [tilespmem:s30+$0x6400];
	_ =	sdelay $0x4  }
0xae: {  	(v2sf) =	vpush v0, $0x0;
	_ =	sdelay $0xe  }
0xaf: {  	s2 =	spop (v2sf)  }
0xb0: {  	p0 =	slt.s32 s2, $0x1  }
.Ltmp12:
0xb1: {  	_ = 	snop;
	(pc) =	sbr.rel @p0 .LBB2_23-.Ltmp12, $1  }
0xb2: {  	_ =	sdelay $0x3  }
0xb3: {  	p1 =	sne.s32 s2, $0x1  }
.Ltmp13:
0xb4: {  	_ = 	snop;
	(pc) =	sbr.rel @!p1 .LBB2_18-.Ltmp13, $3  }
0xb5: {  	_ =	sdelay $0x1  }
0xb6: {  	s1 =	simm.s32 $0x20  }
0xb7: {  	s0 =	simm.s32 $0x12D30;
	s2 =	sadd.s32 $0xFFFFFFFF, s2;
	p0 =	por $0x0, $0x0;
	v0 =	vld [tilespmem:s1+$0xFFFFFFE0]  }
0xb8: {  	_ =	sdelay $0x3  }
0xb9: {  	[tilespmem:s0+$0xFFFFFFD0] =	vst.add.f32.msk $0xffff, v0  }
0xba: {  	v0 =	vld [tilespmem:s1+$0xFFFFFFF0];
	_ =	sdelay $0x4  }
0xbb: {  	[tilespmem:s0+$0xFFFFFFE0] =	vst.add.f32.msk $0xffff, v0  }
0xbc: {  	v0 =	vld [tilespmem:s1+$0x0];
	_ =	sdelay $0x4  }
0xbd: {  	[tilespmem:s0+$0xFFFFFFF0] =	vst.add.f32.msk $0xffff, v0  }
0xbe: {  	v0 =	vld [tilespmem:s1+$0x10]  }
0xbf: {  	p1 =	sne.s32 s2, $0x1  }
.Ltmp14:
0xc0: {  	_ = 	snop;
	(pc) =	sbr.rel @!p1 .LBB2_20-.Ltmp14, $3  }
0xc1: {  	_ =	sdelay $0x1  }
0xc2: {  	s1 =	simm.s32 $0xA0;
	[tilespmem:s0+$0x0] =	vst.add.f32.msk $0xffff, v0  }
0xc3: {  	s7 =	sadd.s32 $0xFFFFFFFF, s2;
	p0 =	por $0x1, $0x1;
	s2 =	simm.s32 $0x12D30;
	v0 =	vld [tilespmem:s1+$0xFFFFFFE0]  }
.LBB2_21:
0xc4: {  	p1 =	sne.s32 s7, $0x1;
	_ =	sdelay $0x2  }
0xc5: {  	s2 =	sadd.s32 $0x80, s2  }
0xc6: {  	[tilespmem:s2+$0xFFFFFFD0] =	vst.add.f32.msk $0xffff, v0  }
0xc7: {  	v0 =	vld [tilespmem:s1+$0xFFFFFFF0];
	_ =	sdelay $0x4  }
0xc8: {  	[tilespmem:s2+$0xFFFFFFE0] =	vst.add.f32.msk $0xffff, v0  }
0xc9: {  	v0 =	vld [tilespmem:s1+$0x0];
	_ =	sdelay $0x4  }
0xca: {  	[tilespmem:s2+$0xFFFFFFF0] =	vst.add.f32.msk $0xffff, v0  }
0xcb: {  	v0 =	vld [tilespmem:s1+$0x10];
	_ =	sdelay $0x1  }
.Ltmp15:
0xcc: {  	(pc) =	sbr.rel @p1 .LBB2_21-.Ltmp15, $3  }
0xcd: {  	_ =	sdelay $0x1  }
0xce: {  	s1 =	sadd.s32 $0x80, s1;
	[tilespmem:s2+$0x0] =	vst.add.f32.msk $0xffff, v0  }
0xcf: {  	s7 =	sadd.s32 $0xFFFFFFFF, s7;
	v0 =	vld [tilespmem:s1+$0xFFFFFFE0]  }
.LBB2_22:
0xd0: {  	_ =	sdelay $0x1  }
0xd1: {  	s2 =	sadd.s32 @p0 $0x80, s2  }
0xd2: {  	s0 =	smov.u32 @p0 s2  }
0xd3: {  	[tilespmem:s0+$0xFFFFFFD0] =	vst.add.f32.msk $0xffff, v0  }
0xd4: {  	v0 =	vld [tilespmem:s1+$0xFFFFFFF0];
	_ =	sdelay $0x4  }
0xd5: {  	[tilespmem:s0+$0xFFFFFFE0] =	vst.add.f32.msk $0xffff, v0  }
0xd6: {  	v0 =	vld [tilespmem:s1+$0x0];
	_ =	sdelay $0x4  }
0xd7: {  	[tilespmem:s0+$0xFFFFFFF0] =	vst.add.f32.msk $0xffff, v0  }
0xd8: {  	v0 =	vld [tilespmem:s1+$0x10];
	_ =	sdelay $0x4  }
0xd9: {  	[tilespmem:s0+$0x0] =	vst.add.f32.msk $0xffff, v0  }
.LBB2_23:
0xda: {  	s0 =	sadd.s32 s6, s28  }
0xdb: {  	[hbm4b:s0+s3] =	stream.linear.scatter [tilespmem:s13], [sflag:$0x7], $0x6400, $0x38;
	[tilespmem:$0x1F500] =	vst v63  }
0xdc: {  	_ =	swait.ge [sflag:s18], $0x6400  }
0xdd: {  	[sflag:s18] =	ssyncset.done $0x0  }
0xde: {  	[sflag:s18] =	ssyncadd.s32 $0xFFFF9C00  }
0xdf: {  	v0 =	vld [tilespmem:s26+$0x6403];
	_ =	sdelay $0x4  }
0xe0: {  	(v2sf) =	vpush v0, $0x0;
	_ =	sdelay $0xe  }
0xe1: {  	s2 =	spop (v2sf)  }
0xe2: {  	p0 =	slt.s32 s2, $0x1  }
.Ltmp16:
0xe3: {  	_ = 	snop;
	(pc) =	sbr.rel @p0 .LBB2_30-.Ltmp16, $1  }
0xe4: {  	_ =	sdelay $0x3  }
0xe5: {  	p1 =	sne.s32 s2, $0x1  }
.Ltmp17:
0xe6: {  	_ = 	snop;
	(pc) =	sbr.rel @!p1 .LBB2_25-.Ltmp17, $3  }
0xe7: {  	s1 =	simm.s32 $0x20  }
0xe8: {  	v0 =	vld [tilespmem:s1+$0xFFFFFFE0];
	_ =	sdelay $0x1  }
0xe9: {  	s0 =	simm.s32 $0x19130;
	s2 =	sadd.s32 $0xFFFFFFFF, s2;
	p0 =	por $0x0, $0x0  }
0xea: {  	_ =	sdelay $0x1  }
0xeb: {  	[tilespmem:s0+$0xFFFFFFD0] =	vst.add.f32.msk $0xffff, v0  }
0xec: {  	v0 =	vld [tilespmem:s1+$0xFFFFFFF0];
	_ =	sdelay $0x4  }
0xed: {  	[tilespmem:s0+$0xFFFFFFE0] =	vst.add.f32.msk $0xffff, v0  }
0xee: {  	v0 =	vld [tilespmem:s1+$0x0];
	_ =	sdelay $0x4  }
0xef: {  	[tilespmem:s0+$0xFFFFFFF0] =	vst.add.f32.msk $0xffff, v0  }
0xf0: {  	v0 =	vld [tilespmem:s1+$0x10];
	_ =	sdelay $0x2  }
0xf1: {  	p1 =	sne.s32 s2, $0x1  }
.Ltmp18:
0xf2: {  	_ = 	snop;
	(pc) =	sbr.rel @!p1 .LBB2_27-.Ltmp18, $3  }
0xf3: {  	s1 =	simm.s32 $0xA0;
	[tilespmem:s0+$0x0] =	vst.add.f32.msk $0xffff, v0  }
0xf4: {  	v0 =	vld [tilespmem:s1+$0xFFFFFFE0];
	_ =	sdelay $0x1  }
0xf5: {  	s7 =	sadd.s32 $0xFFFFFFFF, s2;
	p0 =	por $0x1, $0x1;
	s2 =	simm.s32 $0x19130  }
.LBB2_28:
0xf6: {  	p1 =	sne.s32 s7, $0x1;
	_ =	sdelay $0x2  }
0xf7: {  	s2 =	sadd.s32 $0x80, s2  }
0xf8: {  	[tilespmem:s2+$0xFFFFFFD0] =	vst.add.f32.msk $0xffff, v0  }
0xf9: {  	v0 =	vld [tilespmem:s1+$0xFFFFFFF0];
	_ =	sdelay $0x4  }
0xfa: {  	[tilespmem:s2+$0xFFFFFFE0] =	vst.add.f32.msk $0xffff, v0  }
0xfb: {  	v0 =	vld [tilespmem:s1+$0x0];
	_ =	sdelay $0x4  }
0xfc: {  	[tilespmem:s2+$0xFFFFFFF0] =	vst.add.f32.msk $0xffff, v0  }
0xfd: {  	v0 =	vld [tilespmem:s1+$0x10];
	_ =	sdelay $0x1  }
.Ltmp19:
0xfe: {  	(pc) =	sbr.rel @p1 .LBB2_28-.Ltmp19, $3  }
0xff: {  	_ =	sdelay $0x1  }
0x100: {  	s1 =	sadd.s32 $0x80, s1;
	[tilespmem:s2+$0x0] =	vst.add.f32.msk $0xffff, v0  }
0x101: {  	s7 =	sadd.s32 $0xFFFFFFFF, s7;
	v0 =	vld [tilespmem:s1+$0xFFFFFFE0]  }
.Ltmp20:
0x102: {  	_ = 	snop;
	(pc) =	sbr.rel .LBB2_29-.Ltmp20, $1  }
0x103: {  	_ =	sdelay $0x3  }
.LBB2_4:
.Ltmp21:
0x104: {  	(pc) =	sbr.rel .LBB2_8-.Ltmp21, $2  }
0x105: {  	_ =	sdelay $0x2  }
0x106: {  	s10 =	simm.s32 $0x6500  }
.LBB2_11:
.Ltmp22:
0x107: {  	(pc) =	sbr.rel .LBB2_15-.Ltmp22, $2  }
0x108: {  	_ =	sdelay $0x2  }
0x109: {  	s2 =	simm.s32 $0xC930  }
.LBB2_18:
.Ltmp23:
0x10a: {  	(pc) =	sbr.rel .LBB2_22-.Ltmp23, $2  }
0x10b: {  	_ =	sdelay $0x2  }
0x10c: {  	s2 =	simm.s32 $0x12D30  }
.LBB2_6:
.Ltmp24:
0x10d: {  	(pc) =	sbr.rel .LBB2_8-.Ltmp24, $2  }
0x10e: {  	_ =	sdelay $0x2  }
0x10f: {  	s10 =	simm.s32 $0x6500  }
.LBB2_13:
.Ltmp25:
0x110: {  	(pc) =	sbr.rel .LBB2_15-.Ltmp25, $2  }
0x111: {  	_ =	sdelay $0x2  }
0x112: {  	s2 =	simm.s32 $0xC930  }
.LBB2_20:
.Ltmp26:
0x113: {  	(pc) =	sbr.rel .LBB2_22-.Ltmp26, $2  }
0x114: {  	_ =	sdelay $0x2  }
0x115: {  	s2 =	simm.s32 $0x12D30  }
.LBB2_27:
.Ltmp27:
0x116: {  	(pc) =	sbr.rel .LBB2_29-.Ltmp27, $2  }
0x117: {  	_ =	sdelay $0x2  }
0x118: {  	s2 =	simm.s32 $0x19130  }
.LBB2_32:
0x119: {  	_ =	sfence.sel $0x180000  }
0x11a: {  	[bflag:$0x0] =	sbarrier.arrive $0xFFFF  }
0x11b: {  	_ =	strace $0x90000047  }
0x11c: {  	s0 =	stileid.u32;
	[bflag:$0x2] =	sbarrier.arrive $0xFFFF  }
0x11d: {  	p0 =	sne.s32 s0, $0x0;
	s0 =	rddreg [dreg:$0x3]  }
0x11e: {  	s0 =	sadd.s32 @!p0 $0x100000, s0  }
0x11f: {  	[sflag:s0] =	ssyncadd.tile.s32 @!p0 $0x1;
	_ =	shalt  }
.Lfunc_end2:
_tile_overlayer_lowered:
.L_overlay_start_2:
0x120: {  	(tag) =	ssettag $0x2  }
0x121: {  	s0 =	rddreg [dreg:$0x0];
	s2 =	stileid.u32  }
0x122: {  	s1 =	rddreg [dreg:$0x1];
	p0 =	sne.s32 s2, $0x0  }
0x123: {  	s3 =	rddreg [dreg:$0x2];
	[bflag:$0x3] =	sbarrier.arrive $0xFFFF;
	s2 =	simm.s32 @!p0 $0x1C09  }
0x124: {  	[timem:s3], [sflag:s2] =	dma.local @!p0 [hbm:s0], s1  }
0x125: {  	s0 =	simm.s32 @!p0 $0x9  }
0x126: {  	_ =	swait.ge @!p0 [sflag:s0], s1  }
0x127: {  	s1 =	ssub.s32 @!p0 $0x0, s1;
	[sflag:s0] =	ssyncset.done @!p0 $0x0  }
0x128: {  	[sflag:s0] =	ssyncadd.s32 @!p0 s1  }
0x129: {  	[bflag:$0x3] =	sbarrier.arrive $0xFFFF  }
0x12a: {  	_ =	shalt  }

</sc_bundles>
